<compile_context>
chip_gen: v7x
topology: tpu7x:2x2x1
jax: 0.10.2.dev20260603
libtpu: 0.0.44.dev20260713+nightly
codegen_flags: <defaults>
</compile_context>

<pallas_src>
import functools

import jax
import jax.numpy as jnp
from jax import lax
from jax.experimental import pallas as pl
from jax.experimental.pallas import tpu as pltpu
from jax.experimental.pallas import tpu_sc as plsc

B = 4
S = 8192
D = 2048
LANES = 16
N_CORES = 1
BPC = B // N_CORES
SPB = 16 // BPC
CHUNK = S // SPB
STEPS = CHUNK // LANES
COLS = D // SPB

_mesh = plsc.VectorSubcoreMesh(
    core_axis_name="c", subcore_axis_name="s", num_cores=N_CORES)


@functools.partial(
    pl.kernel,
    mesh=_mesh,
    out_type=jax.ShapeDtypeStruct((B * D,), jnp.float32),
    scratch_types=[
        pltpu.VMEM((CHUNK,), jnp.int32),
        pltpu.VMEM((LANES,), jnp.int32),
        pltpu.VMEM_SHARED((16 * LANES,), jnp.int32),
        pltpu.VMEM((SPB * LANES,), jnp.int32),
        pltpu.VMEM((LANES,), jnp.int32),
        pltpu.VMEM((1, COLS), jnp.float32),
        pltpu.VMEM((COLS,), jnp.float32),
        pltpu.SemaphoreType.DMA,
        pltpu.SemaphoreType.DMA,
        pltpu.SemaphoreType.DMA,
    ],
)
def _clip_argmax_sc(hidden_hbm, ids_hbm, out_hbm,
                    ids_v, acc_v, shared_keys, part_v, idx_v, rows_v,
                    out_v, sem, sem2, sem3):
    c = lax.axis_index("c")
    s = lax.axis_index("s")
    b = c * BPC + s // SPB
    bc = s // SPB
    chunk = s % SPB
    base = chunk * CHUNK
    lane = lax.iota(jnp.int32, LANES)

    HALF = CHUNK // 2
    cp1 = pltpu.async_copy(
        ids_hbm.at[pl.ds(b * S + base, HALF)], ids_v.at[pl.ds(0, HALF)], sem)
    cp2 = pltpu.async_copy(
        ids_hbm.at[pl.ds(b * S + base + HALF, HALF)],
        ids_v.at[pl.ds(HALF, HALF)], sem2)

    cvec0 = (S - 1 - base) - lane

    def step(j, carry):
        acc, cvec = carry
        v = ids_v[pl.ds(j * LANES, LANES)]
        key = (v << 13) + cvec
        return jnp.maximum(acc, key), cvec - LANES

    init = (jnp.full((LANES,), -2**31, jnp.int32), cvec0)
    cp1.wait()
    half1 = lax.fori_loop(0, STEPS // 2, step, init, unroll=8)
    cp2.wait()
    acc, _ = lax.fori_loop(STEPS // 2, STEPS, step, half1, unroll=8)
    acc_v[...] = acc
    pltpu.sync_copy(acc_v, shared_keys.at[pl.ds(s * LANES, LANES)])
    plsc.subcore_barrier()

    pltpu.sync_copy(
        shared_keys.at[pl.ds(bc * SPB * LANES, SPB * LANES)], part_v)
    m = part_v[pl.ds(0, LANES)]
    for i in range(1, SPB):
        m = jnp.maximum(m, part_v[pl.ds(i * LANES, LANES)])
    best = m[0]
    for i in range(1, LANES):
        best = jnp.maximum(best, m[i])
    idx = (S - 1) - lax.rem(best, S)

    idx_v[...] = jnp.full((LANES,), 0, jnp.int32) + (b * S + idx)
    pltpu.async_copy(
        hidden_hbm.at[idx_v.at[pl.ds(0, 1)], pl.ds(chunk * COLS, COLS)],
        rows_v, sem).wait()

    HCOL = COLS // 2
    for j in range(HCOL // LANES):
        x = rows_v[0, pl.ds(j * LANES, LANES)]
        x2 = x * x
        out_v[pl.ds(j * LANES, LANES)] = x2 * x2
    st1 = pltpu.async_copy(
        out_v.at[pl.ds(0, HCOL)],
        out_hbm.at[pl.ds(b * D + chunk * COLS, HCOL)], sem3)
    for j in range(HCOL // LANES, COLS // LANES):
        x = rows_v[0, pl.ds(j * LANES, LANES)]
        x2 = x * x
        out_v[pl.ds(j * LANES, LANES)] = x2 * x2
    st2 = pltpu.async_copy(
        out_v.at[pl.ds(HCOL, HCOL)],
        out_hbm.at[pl.ds(b * D + chunk * COLS + HCOL, HCOL)], sem)
    st1.wait()
    st2.wait()


def kernel(last_hidden_state, input_ids):
    ids = input_ids.astype(jnp.int32).reshape(B * S)
    hidden = last_hidden_state.reshape(B * S, D)
    return _clip_argmax_sc(hidden, ids).reshape(B, D)

# --- scband reference (transcript-rebuilt; emitter-appended) ---
"""Pipeline reference for scband-clip-argmax-14018773254348 (READ-ONLY COPY).

The authoritative reference and input builder live on the scoring server;
editing this copy changes nothing except your own understanding.
"""

import jax, jax.numpy as jnp
import numpy as np


def setup_inputs(seed: int = 0) -> dict:
    key = jax.random.key(seed)
    k1, k2 = jax.random.split(key)
    last_hidden_state = jax.random.normal(k1, (4, 8192, 2048), dtype=jnp.float32)
    input_ids = jax.random.randint(k2, (4, 8192), 0, 49408, dtype=jnp.int64)
    return {"last_hidden_state": last_hidden_state, "input_ids": input_ids}


def reference(last_hidden_state, input_ids):
    # eltwise_before = True
    x = last_hidden_state * last_hidden_state
    # argmax over the sequence dim of input_ids, then gather per-batch row
    idx = jnp.argmax(input_ids, axis=-1)
    pooled_output = x[jnp.arange(x.shape[0]), idx]
    # eltwise_after = True
    pooled_output = pooled_output * pooled_output
    return pooled_output

if __name__ == "__main__":
    import jax
    _d = setup_inputs()
    print(jax.jit(kernel)(*tuple(_d.values())))

</pallas_src>

<mosaic_0001>
#map = affine_map<(d0, d1) -> (0, 0)>
#map1 = affine_map<(d0, d1) -> (0)>
module attributes {stable_mosaic.version = 14 : i64} {
  func.func @_clip_argmax_sc(%arg0: i32, %arg1: i32, %arg2: memref<32768x2048xf32, #tpu.memory_space<hbm>>, %arg3: memref<32768xi32, #tpu.memory_space<hbm>>, %arg4: memref<8192xf32, #tpu.memory_space<hbm>>, %arg5: memref<2048xi32, #tpu.memory_space<vmem>>, %arg6: memref<16xi32, #tpu.memory_space<vmem>>, %arg7: memref<256xi32, #tpu.memory_space<vmem_shared>>, %arg8: memref<64xi32, #tpu.memory_space<vmem>>, %arg9: memref<16xi32, #tpu.memory_space<vmem>>, %arg10: memref<1x512xf32, #tpu.memory_space<vmem>>, %arg11: memref<512xf32, #tpu.memory_space<vmem>>, %arg12: memref<!tpu.dma_semaphore, #tpu.memory_space<semaphore_mem>>, %arg13: memref<!tpu.dma_semaphore, #tpu.memory_space<semaphore_mem>>, %arg14: memref<!tpu.dma_semaphore, #tpu.memory_space<semaphore_mem>>) attributes {dimension_semantics = [#tpu.dimension_semantics<core_parallel>, #tpu.dimension_semantics<subcore_parallel>], iteration_bounds = array<i64: 1, 16>, scalar_prefetch = 0 : i64, scratch_operands = 10 : i64, tpu.core_type = #tpu.core_type<sc_vector_subcore>, window_params = [{transform_indices = #map}, {transform_indices = #map1}, {transform_indices = #map1}]} {
    %mul3A = arith.constant 4 : i32
    %mul3A_0 = arith.muli %arg0, %mul3A : i32
    %jit3A = arith.constant 4 : i32
    %div3A = arith.divsi %arg1, %jit3A : i32
    %sign3A = arith.constant 0 : i32
    %sign3A_1 = arith.cmpi sgt, %arg1, %sign3A : i32
    %sign3A_2 = arith.extui %sign3A_1 : i1 to i32
    %sign3A_3 = arith.constant 0 : i32
    %sign3A_4 = arith.cmpi slt, %arg1, %sign3A_3 : i32
    %sign3A_5 = arith.extui %sign3A_4 : i1 to i32
    %sign3A_6 = arith.subi %sign3A_2, %sign3A_5 : i32
    %sign3A_7 = arith.constant 0 : i32
    %sign3A_8 = arith.cmpi sgt, %jit3A, %sign3A_7 : i32
    %sign3A_9 = arith.extui %sign3A_8 : i1 to i32
    %sign3A_10 = arith.constant 0 : i32
    %sign3A_11 = arith.cmpi slt, %jit3A, %sign3A_10 : i32
    %sign3A_12 = arith.extui %sign3A_11 : i1 to i32
    %sign3A_13 = arith.subi %sign3A_9, %sign3A_12 : i32
    %ne3A = arith.cmpi ne, %sign3A_6, %sign3A_13 : i32
    %rem3A = arith.remsi %arg1, %jit3A : i32
    %ne3A_14 = arith.constant 0 : i32
    %ne3A_15 = arith.cmpi ne, %rem3A, %ne3A_14 : i32
    %and3A = arith.andi %ne3A, %ne3A_15 : i1
    %sub3A = arith.constant 1 : i32
    %sub3A_16 = arith.subi %div3A, %sub3A : i32
    %select_n3A = arith.select %and3A, %sub3A_16, %div3A : i32
    %add3A = arith.addi %mul3A_0, %select_n3A : i32
    %jit3A_17 = arith.constant 4 : i32
    %div3A_18 = arith.divsi %arg1, %jit3A_17 : i32
    %sign3A_19 = arith.constant 0 : i32
    %sign3A_20 = arith.cmpi sgt, %arg1, %sign3A_19 : i32
    %sign3A_21 = arith.extui %sign3A_20 : i1 to i32
    %sign3A_22 = arith.constant 0 : i32
    %sign3A_23 = arith.cmpi slt, %arg1, %sign3A_22 : i32
    %sign3A_24 = arith.extui %sign3A_23 : i1 to i32
    %sign3A_25 = arith.subi %sign3A_21, %sign3A_24 : i32
    %sign3A_26 = arith.constant 0 : i32
    %sign3A_27 = arith.cmpi sgt, %jit3A_17, %sign3A_26 : i32
    %sign3A_28 = arith.extui %sign3A_27 : i1 to i32
    %sign3A_29 = arith.constant 0 : i32
    %sign3A_30 = arith.cmpi slt, %jit3A_17, %sign3A_29 : i32
    %sign3A_31 = arith.extui %sign3A_30 : i1 to i32
    %sign3A_32 = arith.subi %sign3A_28, %sign3A_31 : i32
    %ne3A_33 = arith.cmpi ne, %sign3A_25, %sign3A_32 : i32
    %rem3A_34 = arith.remsi %arg1, %jit3A_17 : i32
    %ne3A_35 = arith.constant 0 : i32
    %ne3A_36 = arith.cmpi ne, %rem3A_34, %ne3A_35 : i32
    %and3A_37 = arith.andi %ne3A_33, %ne3A_36 : i1
    %sub3A_38 = arith.constant 1 : i32
    %sub3A_39 = arith.subi %div3A_18, %sub3A_38 : i32
    %select_n3A_40 = arith.select %and3A_37, %sub3A_39, %div3A_18 : i32
    %jit3A_41 = arith.constant 4 : i32
    %eq3A = arith.constant 0 : i32
    %eq3A_42 = arith.cmpi eq, %jit3A_41, %eq3A : i32
    %jit3A_43 = arith.constant 1 : i32
    %select_n3A_44 = arith.select %eq3A_42, %jit3A_43, %jit3A_41 : i32
    %rem3A_45 = arith.remsi %arg1, %select_n3A_44 : i32
    %ne3A_46 = arith.constant 0 : i32
    %ne3A_47 = arith.cmpi ne, %rem3A_45, %ne3A_46 : i32
    %lt3A = arith.constant 0 : i32
    %lt3A_48 = arith.cmpi slt, %rem3A_45, %lt3A : i32
    %lt3A_49 = arith.constant 0 : i32
    %lt3A_50 = arith.cmpi slt, %select_n3A_44, %lt3A_49 : i32
    %ne3A_51 = arith.xori %lt3A_48, %lt3A_50 : i1
    %and3A_52 = arith.andi %ne3A_51, %ne3A_47 : i1
    %add3A_53 = arith.addi %rem3A_45, %select_n3A_44 : i32
    %select_n3A_54 = arith.select %and3A_52, %add3A_53, %rem3A_45 : i32
    %mul3A_55 = arith.constant 2048 : i32
    %mul3A_56 = arith.muli %select_n3A_54, %mul3A_55 : i32
    %iota3A = tpu.iota {dimensions = array<i32: 0>} : vector<16xi32>
    %mul3A_57 = arith.constant 8192 : i32
    %mul3A_58 = arith.muli %add3A, %mul3A_57 : i32
    %add3A_59 = arith.addi %mul3A_58, %mul3A_56 : i32
    %dma_start3A = arith.constant 0 : i32
    %dma_start3A_60 = tpu.memref_slice %arg5[%dma_start3A] : memref<2048xi32, #tpu.memory_space<vmem>> -> memref<1024xi32, #tpu.memory_space<vmem>>
    %dma_start3A_61 = tpu.memref_slice %arg3[%add3A_59] : memref<32768xi32, #tpu.memory_space<hbm>> -> memref<1024xi32, #tpu.memory_space<hbm>>
    %dma_start3A_62 = arith.constant 0 : i32
    %dma_start3A_63 = tpu.memref_slice %arg5[%dma_start3A_62] : memref<2048xi32, #tpu.memory_space<vmem>> -> memref<1024xi32, #tpu.memory_space<vmem>>
    %dma_start3A_64 = tpu.memref_slice %arg3[%add3A_59] : memref<32768xi32, #tpu.memory_space<hbm>> -> memref<1024xi32, #tpu.memory_space<hbm>>
    tpu.enqueue_dma source(%dma_start3A_64 : memref<1024xi32, #tpu.memory_space<hbm>>) target(%dma_start3A_63 : memref<1024xi32, #tpu.memory_space<vmem>>) target_semaphore(%arg12 : memref<!tpu.dma_semaphore, #tpu.memory_space<semaphore_mem>>)
    %mul3A_65 = arith.constant 8192 : i32
    %mul3A_66 = arith.muli %add3A, %mul3A_65 : i32
    %add3A_67 = arith.addi %mul3A_66, %mul3A_56 : i32
    %add3A_68 = arith.constant 1024 : i32
    %add3A_69 = arith.addi %add3A_67, %add3A_68 : i32
    %dma_start3A_70 = arith.constant 1024 : i32
    %dma_start3A_71 = tpu.memref_slice %arg5[%dma_start3A_70] : memref<2048xi32, #tpu.memory_space<vmem>> -> memref<1024xi32, #tpu.memory_space<vmem>>
    %dma_start3A_72 = tpu.memref_slice %arg3[%add3A_69] : memref<32768xi32, #tpu.memory_space<hbm>> -> memref<1024xi32, #tpu.memory_space<hbm>>
    %dma_start3A_73 = arith.constant 1024 : i32
    %dma_start3A_74 = tpu.memref_slice %arg5[%dma_start3A_73] : memref<2048xi32, #tpu.memory_space<vmem>> -> memref<1024xi32, #tpu.memory_space<vmem>>
    %dma_start3A_75 = tpu.memref_slice %arg3[%add3A_69] : memref<32768xi32, #tpu.memory_space<hbm>> -> memref<1024xi32, #tpu.memory_space<hbm>>
    tpu.enqueue_dma source(%dma_start3A_75 : memref<1024xi32, #tpu.memory_space<hbm>>) target(%dma_start3A_74 : memref<1024xi32, #tpu.memory_space<vmem>>) target_semaphore(%arg13 : memref<!tpu.dma_semaphore, #tpu.memory_space<semaphore_mem>>)
    %sub3A_76 = arith.constant 8191 : i32
    %sub3A_77 = arith.subi %sub3A_76, %mul3A_56 : i32
    %sub3A_78 = vector.broadcast %sub3A_77 : i32 to vector<16xi32>
    %sub3A_79 = arith.subi %sub3A_78, %iota3A : vector<16xi32>
    %broadcast_in_dim3A = arith.constant -2147483648 : i32
    %broadcast_in_dim3A_80 = vector.broadcast %broadcast_in_dim3A : i32 to vector<16xi32>
    %dma_wait3A = arith.constant 0 : i32
    %dma_wait3A_81 = tpu.memref_slice %arg5[%dma_wait3A] : memref<2048xi32, #tpu.memory_space<vmem>> -> memref<1024xi32, #tpu.memory_space<vmem>>
    %dma_wait3A_82 = tpu.memref_slice %arg3[%add3A_59] : memref<32768xi32, #tpu.memory_space<hbm>> -> memref<1024xi32, #tpu.memory_space<hbm>>
    %dma_wait3A_83 = arith.constant 0 : i32
    %dma_wait3A_84 = tpu.memref_slice %arg5[%dma_wait3A_83] : memref<2048xi32, #tpu.memory_space<vmem>> -> memref<1024xi32, #tpu.memory_space<vmem>>
    %dma_wait3A_85 = tpu.memref_slice %arg3[%add3A_59] : memref<32768xi32, #tpu.memory_space<hbm>> -> memref<1024xi32, #tpu.memory_space<hbm>>
    tpu.wait_dma2 semaphore(%arg12 : memref<!tpu.dma_semaphore, #tpu.memory_space<semaphore_mem>>) src(%dma_wait3A_85 : memref<1024xi32, #tpu.memory_space<hbm>>) dst(%dma_wait3A_84 : memref<1024xi32, #tpu.memory_space<vmem>>)
    %scan3A = arith.constant 0 : i32
    %scan3A_86 = arith.constant 64 : i32
    %scan3A_87 = arith.addi %scan3A, %scan3A_86 : i32
    %scan3A_88 = arith.constant 8 : i32
    %scan3A_89:2 = scf.for %scan3A_583 = %scan3A to %scan3A_87 step %scan3A_88 iter_args(%scan3A_584 = %broadcast_in_dim3A_80, %scan3A_585 = %sub3A_79) -> (vector<16xi32>, vector<16xi32>)  : i32 {
      %mul3A_586 = arith.constant 16 : i32
      %mul3A_587 = arith.muli %scan3A_583, %mul3A_586 : i32
      %get3A_588 = arith.index_cast %mul3A_587 : i32 to index
      %get3A_589 = tpu.vector_load %arg5[%get3A_588] {strides = array<i32>} : memref<2048xi32, #tpu.memory_space<vmem>>, vector<16xi32>,
      %get3A_590 = vector.shape_cast %get3A_589 : vector<16xi32> to vector<16xi32>
      %shift_left3A = arith.constant 13 : i32
      %shift_left3A_591 = vector.broadcast %shift_left3A : i32 to vector<16xi32>
      %shift_left3A_592 = arith.shli %get3A_590, %shift_left3A_591 : vector<16xi32>
      %add3A_593 = arith.addi %shift_left3A_592, %scan3A_585 : vector<16xi32>
      %max3A_594 = arith.maxsi %scan3A_584, %add3A_593 : vector<16xi32>
      %sub3A_595 = arith.constant 16 : i32
      %sub3A_596 = vector.broadcast %sub3A_595 : i32 to vector<16xi32>
      %sub3A_597 = arith.subi %scan3A_585, %sub3A_596 : vector<16xi32>
      %scan3A_598 = arith.constant 1 : i32
      %scan3A_599 = arith.addi %scan3A_583, %scan3A_598 : i32
      %mul3A_600 = arith.constant 16 : i32
      %mul3A_601 = arith.muli %scan3A_599, %mul3A_600 : i32
      %get3A_602 = arith.index_cast %mul3A_601 : i32 to index
      %get3A_603 = tpu.vector_load %arg5[%get3A_602] {strides = array<i32>} : memref<2048xi32, #tpu.memory_space<vmem>>, vector<16xi32>,
      %get3A_604 = vector.shape_cast %get3A_603 : vector<16xi32> to vector<16xi32>
      %shift_left3A_605 = arith.constant 13 : i32
      %shift_left3A_606 = vector.broadcast %shift_left3A_605 : i32 to vector<16xi32>
      %shift_left3A_607 = arith.shli %get3A_604, %shift_left3A_606 : vector<16xi32>
      %add3A_608 = arith.addi %shift_left3A_607, %sub3A_597 : vector<16xi32>
      %max3A_609 = arith.maxsi %max3A_594, %add3A_608 : vector<16xi32>
      %sub3A_610 = arith.constant 16 : i32
      %sub3A_611 = vector.broadcast %sub3A_610 : i32 to vector<16xi32>
      %sub3A_612 = arith.subi %sub3A_597, %sub3A_611 : vector<16xi32>
      %scan3A_613 = arith.constant 2 : i32
      %scan3A_614 = arith.addi %scan3A_583, %scan3A_613 : i32
      %mul3A_615 = arith.constant 16 : i32
      %mul3A_616 = arith.muli %scan3A_614, %mul3A_615 : i32
      %get3A_617 = arith.index_cast %mul3A_616 : i32 to index
      %get3A_618 = tpu.vector_load %arg5[%get3A_617] {strides = array<i32>} : memref<2048xi32, #tpu.memory_space<vmem>>, vector<16xi32>,
      %get3A_619 = vector.shape_cast %get3A_618 : vector<16xi32> to vector<16xi32>
      %shift_left3A_620 = arith.constant 13 : i32
      %shift_left3A_621 = vector.broadcast %shift_left3A_620 : i32 to vector<16xi32>
      %shift_left3A_622 = arith.shli %get3A_619, %shift_left3A_621 : vector<16xi32>
      %add3A_623 = arith.addi %shift_left3A_622, %sub3A_612 : vector<16xi32>
      %max3A_624 = arith.maxsi %max3A_609, %add3A_623 : vector<16xi32>
      %sub3A_625 = arith.constant 16 : i32
      %sub3A_626 = vector.broadcast %sub3A_625 : i32 to vector<16xi32>
      %sub3A_627 = arith.subi %sub3A_612, %sub3A_626 : vector<16xi32>
      %scan3A_628 = arith.constant 3 : i32
      %scan3A_629 = arith.addi %scan3A_583, %scan3A_628 : i32
      %mul3A_630 = arith.constant 16 : i32
      %mul3A_631 = arith.muli %scan3A_629, %mul3A_630 : i32
      %get3A_632 = arith.index_cast %mul3A_631 : i32 to index
      %get3A_633 = tpu.vector_load %arg5[%get3A_632] {strides = array<i32>} : memref<2048xi32, #tpu.memory_space<vmem>>, vector<16xi32>,
      %get3A_634 = vector.shape_cast %get3A_633 : vector<16xi32> to vector<16xi32>
      %shift_left3A_635 = arith.constant 13 : i32
      %shift_left3A_636 = vector.broadcast %shift_left3A_635 : i32 to vector<16xi32>
      %shift_left3A_637 = arith.shli %get3A_634, %shift_left3A_636 : vector<16xi32>
      %add3A_638 = arith.addi %shift_left3A_637, %sub3A_627 : vector<16xi32>
      %max3A_639 = arith.maxsi %max3A_624, %add3A_638 : vector<16xi32>
      %sub3A_640 = arith.constant 16 : i32
      %sub3A_641 = vector.broadcast %sub3A_640 : i32 to vector<16xi32>
      %sub3A_642 = arith.subi %sub3A_627, %sub3A_641 : vector<16xi32>
      %scan3A_643 = arith.constant 4 : i32
      %scan3A_644 = arith.addi %scan3A_583, %scan3A_643 : i32
      %mul3A_645 = arith.constant 16 : i32
      %mul3A_646 = arith.muli %scan3A_644, %mul3A_645 : i32
      %get3A_647 = arith.index_cast %mul3A_646 : i32 to index
      %get3A_648 = tpu.vector_load %arg5[%get3A_647] {strides = array<i32>} : memref<2048xi32, #tpu.memory_space<vmem>>, vector<16xi32>,
      %get3A_649 = vector.shape_cast %get3A_648 : vector<16xi32> to vector<16xi32>
      %shift_left3A_650 = arith.constant 13 : i32
      %shift_left3A_651 = vector.broadcast %shift_left3A_650 : i32 to vector<16xi32>
      %shift_left3A_652 = arith.shli %get3A_649, %shift_left3A_651 : vector<16xi32>
      %add3A_653 = arith.addi %shift_left3A_652, %sub3A_642 : vector<16xi32>
      %max3A_654 = arith.maxsi %max3A_639, %add3A_653 : vector<16xi32>
      %sub3A_655 = arith.constant 16 : i32
      %sub3A_656 = vector.broadcast %sub3A_655 : i32 to vector<16xi32>
      %sub3A_657 = arith.subi %sub3A_642, %sub3A_656 : vector<16xi32>
      %scan3A_658 = arith.constant 5 : i32
      %scan3A_659 = arith.addi %scan3A_583, %scan3A_658 : i32
      %mul3A_660 = arith.constant 16 : i32
      %mul3A_661 = arith.muli %scan3A_659, %mul3A_660 : i32
      %get3A_662 = arith.index_cast %mul3A_661 : i32 to index
      %get3A_663 = tpu.vector_load %arg5[%get3A_662] {strides = array<i32>} : memref<2048xi32, #tpu.memory_space<vmem>>, vector<16xi32>,
      %get3A_664 = vector.shape_cast %get3A_663 : vector<16xi32> to vector<16xi32>
      %shift_left3A_665 = arith.constant 13 : i32
      %shift_left3A_666 = vector.broadcast %shift_left3A_665 : i32 to vector<16xi32>
      %shift_left3A_667 = arith.shli %get3A_664, %shift_left3A_666 : vector<16xi32>
      %add3A_668 = arith.addi %shift_left3A_667, %sub3A_657 : vector<16xi32>
      %max3A_669 = arith.maxsi %max3A_654, %add3A_668 : vector<16xi32>
      %sub3A_670 = arith.constant 16 : i32
      %sub3A_671 = vector.broadcast %sub3A_670 : i32 to vector<16xi32>
      %sub3A_672 = arith.subi %sub3A_657, %sub3A_671 : vector<16xi32>
      %scan3A_673 = arith.constant 6 : i32
      %scan3A_674 = arith.addi %scan3A_583, %scan3A_673 : i32
      %mul3A_675 = arith.constant 16 : i32
      %mul3A_676 = arith.muli %scan3A_674, %mul3A_675 : i32
      %get3A_677 = arith.index_cast %mul3A_676 : i32 to index
      %get3A_678 = tpu.vector_load %arg5[%get3A_677] {strides = array<i32>} : memref<2048xi32, #tpu.memory_space<vmem>>, vector<16xi32>,
      %get3A_679 = vector.shape_cast %get3A_678 : vector<16xi32> to vector<16xi32>
      %shift_left3A_680 = arith.constant 13 : i32
      %shift_left3A_681 = vector.broadcast %shift_left3A_680 : i32 to vector<16xi32>
      %shift_left3A_682 = arith.shli %get3A_679, %shift_left3A_681 : vector<16xi32>
      %add3A_683 = arith.addi %shift_left3A_682, %sub3A_672 : vector<16xi32>
      %max3A_684 = arith.maxsi %max3A_669, %add3A_683 : vector<16xi32>
      %sub3A_685 = arith.constant 16 : i32
      %sub3A_686 = vector.broadcast %sub3A_685 : i32 to vector<16xi32>
      %sub3A_687 = arith.subi %sub3A_672, %sub3A_686 : vector<16xi32>
      %scan3A_688 = arith.constant 7 : i32
      %scan3A_689 = arith.addi %scan3A_583, %scan3A_688 : i32
      %mul3A_690 = arith.constant 16 : i32
      %mul3A_691 = arith.muli %scan3A_689, %mul3A_690 : i32
      %get3A_692 = arith.index_cast %mul3A_691 : i32 to index
      %get3A_693 = tpu.vector_load %arg5[%get3A_692] {strides = array<i32>} : memref<2048xi32, #tpu.memory_space<vmem>>, vector<16xi32>,
      %get3A_694 = vector.shape_cast %get3A_693 : vector<16xi32> to vector<16xi32>
      %shift_left3A_695 = arith.constant 13 : i32
      %shift_left3A_696 = vector.broadcast %shift_left3A_695 : i32 to vector<16xi32>
      %shift_left3A_697 = arith.shli %get3A_694, %shift_left3A_696 : vector<16xi32>
      %add3A_698 = arith.addi %shift_left3A_697, %sub3A_687 : vector<16xi32>
      %max3A_699 = arith.maxsi %max3A_684, %add3A_698 : vector<16xi32>
      %sub3A_700 = arith.constant 16 : i32
      %sub3A_701 = vector.broadcast %sub3A_700 : i32 to vector<16xi32>
      %sub3A_702 = arith.subi %sub3A_687, %sub3A_701 : vector<16xi32>
      scf.yield %max3A_699, %sub3A_702 : vector<16xi32>, vector<16xi32>
    }
    %scan3A_90 = arith.constant 64 : i32
    %dma_wait3A_91 = arith.constant 1024 : i32
    %dma_wait3A_92 = tpu.memref_slice %arg5[%dma_wait3A_91] : memref<2048xi32, #tpu.memory_space<vmem>> -> memref<1024xi32, #tpu.memory_space<vmem>>
    %dma_wait3A_93 = tpu.memref_slice %arg3[%add3A_69] : memref<32768xi32, #tpu.memory_space<hbm>> -> memref<1024xi32, #tpu.memory_space<hbm>>
    %dma_wait3A_94 = arith.constant 1024 : i32
    %dma_wait3A_95 = tpu.memref_slice %arg5[%dma_wait3A_94] : memref<2048xi32, #tpu.memory_space<vmem>> -> memref<1024xi32, #tpu.memory_space<vmem>>
    %dma_wait3A_96 = tpu.memref_slice %arg3[%add3A_69] : memref<32768xi32, #tpu.memory_space<hbm>> -> memref<1024xi32, #tpu.memory_space<hbm>>
    tpu.wait_dma2 semaphore(%arg13 : memref<!tpu.dma_semaphore, #tpu.memory_space<semaphore_mem>>) src(%dma_wait3A_96 : memref<1024xi32, #tpu.memory_space<hbm>>) dst(%dma_wait3A_95 : memref<1024xi32, #tpu.memory_space<vmem>>)
    %scan3A_97 = arith.constant 64 : i32
    %scan3A_98 = arith.constant 64 : i32
    %scan3A_99 = arith.addi %scan3A_97, %scan3A_98 : i32
    %scan3A_100 = arith.constant 8 : i32
    %scan3A_101:2 = scf.for %scan3A_583 = %scan3A_97 to %scan3A_99 step %scan3A_100 iter_args(%scan3A_584 = %scan3A_89#0, %scan3A_585 = %scan3A_89#1) -> (vector<16xi32>, vector<16xi32>)  : i32 {
      %mul3A_586 = arith.constant 16 : i32
      %mul3A_587 = arith.muli %scan3A_583, %mul3A_586 : i32
      %get3A_588 = arith.index_cast %mul3A_587 : i32 to index
      %get3A_589 = tpu.vector_load %arg5[%get3A_588] {strides = array<i32>} : memref<2048xi32, #tpu.memory_space<vmem>>, vector<16xi32>,
      %get3A_590 = vector.shape_cast %get3A_589 : vector<16xi32> to vector<16xi32>
      %shift_left3A = arith.constant 13 : i32
      %shift_left3A_591 = vector.broadcast %shift_left3A : i32 to vector<16xi32>
      %shift_left3A_592 = arith.shli %get3A_590, %shift_left3A_591 : vector<16xi32>
      %add3A_593 = arith.addi %shift_left3A_592, %scan3A_585 : vector<16xi32>
      %max3A_594 = arith.maxsi %scan3A_584, %add3A_593 : vector<16xi32>
      %sub3A_595 = arith.constant 16 : i32
      %sub3A_596 = vector.broadcast %sub3A_595 : i32 to vector<16xi32>
      %sub3A_597 = arith.subi %scan3A_585, %sub3A_596 : vector<16xi32>
      %scan3A_598 = arith.constant 1 : i32
      %scan3A_599 = arith.addi %scan3A_583, %scan3A_598 : i32
      %mul3A_600 = arith.constant 16 : i32
      %mul3A_601 = arith.muli %scan3A_599, %mul3A_600 : i32
      %get3A_602 = arith.index_cast %mul3A_601 : i32 to index
      %get3A_603 = tpu.vector_load %arg5[%get3A_602] {strides = array<i32>} : memref<2048xi32, #tpu.memory_space<vmem>>, vector<16xi32>,
      %get3A_604 = vector.shape_cast %get3A_603 : vector<16xi32> to vector<16xi32>
      %shift_left3A_605 = arith.constant 13 : i32
      %shift_left3A_606 = vector.broadcast %shift_left3A_605 : i32 to vector<16xi32>
      %shift_left3A_607 = arith.shli %get3A_604, %shift_left3A_606 : vector<16xi32>
      %add3A_608 = arith.addi %shift_left3A_607, %sub3A_597 : vector<16xi32>
      %max3A_609 = arith.maxsi %max3A_594, %add3A_608 : vector<16xi32>
      %sub3A_610 = arith.constant 16 : i32
      %sub3A_611 = vector.broadcast %sub3A_610 : i32 to vector<16xi32>
      %sub3A_612 = arith.subi %sub3A_597, %sub3A_611 : vector<16xi32>
      %scan3A_613 = arith.constant 2 : i32
      %scan3A_614 = arith.addi %scan3A_583, %scan3A_613 : i32
      %mul3A_615 = arith.constant 16 : i32
      %mul3A_616 = arith.muli %scan3A_614, %mul3A_615 : i32
      %get3A_617 = arith.index_cast %mul3A_616 : i32 to index
      %get3A_618 = tpu.vector_load %arg5[%get3A_617] {strides = array<i32>} : memref<2048xi32, #tpu.memory_space<vmem>>, vector<16xi32>,
      %get3A_619 = vector.shape_cast %get3A_618 : vector<16xi32> to vector<16xi32>
      %shift_left3A_620 = arith.constant 13 : i32
      %shift_left3A_621 = vector.broadcast %shift_left3A_620 : i32 to vector<16xi32>
      %shift_left3A_622 = arith.shli %get3A_619, %shift_left3A_621 : vector<16xi32>
      %add3A_623 = arith.addi %shift_left3A_622, %sub3A_612 : vector<16xi32>
      %max3A_624 = arith.maxsi %max3A_609, %add3A_623 : vector<16xi32>
      %sub3A_625 = arith.constant 16 : i32
      %sub3A_626 = vector.broadcast %sub3A_625 : i32 to vector<16xi32>
      %sub3A_627 = arith.subi %sub3A_612, %sub3A_626 : vector<16xi32>
      %scan3A_628 = arith.constant 3 : i32
      %scan3A_629 = arith.addi %scan3A_583, %scan3A_628 : i32
      %mul3A_630 = arith.constant 16 : i32
      %mul3A_631 = arith.muli %scan3A_629, %mul3A_630 : i32
      %get3A_632 = arith.index_cast %mul3A_631 : i32 to index
      %get3A_633 = tpu.vector_load %arg5[%get3A_632] {strides = array<i32>} : memref<2048xi32, #tpu.memory_space<vmem>>, vector<16xi32>,
      %get3A_634 = vector.shape_cast %get3A_633 : vector<16xi32> to vector<16xi32>
      %shift_left3A_635 = arith.constant 13 : i32
      %shift_left3A_636 = vector.broadcast %shift_left3A_635 : i32 to vector<16xi32>
      %shift_left3A_637 = arith.shli %get3A_634, %shift_left3A_636 : vector<16xi32>
      %add3A_638 = arith.addi %shift_left3A_637, %sub3A_627 : vector<16xi32>
      %max3A_639 = arith.maxsi %max3A_624, %add3A_638 : vector<16xi32>
      %sub3A_640 = arith.constant 16 : i32
      %sub3A_641 = vector.broadcast %sub3A_640 : i32 to vector<16xi32>
      %sub3A_642 = arith.subi %sub3A_627, %sub3A_641 : vector<16xi32>
      %scan3A_643 = arith.constant 4 : i32
      %scan3A_644 = arith.addi %scan3A_583, %scan3A_643 : i32
      %mul3A_645 = arith.constant 16 : i32
      %mul3A_646 = arith.muli %scan3A_644, %mul3A_645 : i32
      %get3A_647 = arith.index_cast %mul3A_646 : i32 to index
      %get3A_648 = tpu.vector_load %arg5[%get3A_647] {strides = array<i32>} : memref<2048xi32, #tpu.memory_space<vmem>>, vector<16xi32>,
      %get3A_649 = vector.shape_cast %get3A_648 : vector<16xi32> to vector<16xi32>
      %shift_left3A_650 = arith.constant 13 : i32
      %shift_left3A_651 = vector.broadcast %shift_left3A_650 : i32 to vector<16xi32>
      %shift_left3A_652 = arith.shli %get3A_649, %shift_left3A_651 : vector<16xi32>
      %add3A_653 = arith.addi %shift_left3A_652, %sub3A_642 : vector<16xi32>
      %max3A_654 = arith.maxsi %max3A_639, %add3A_653 : vector<16xi32>
      %sub3A_655 = arith.constant 16 : i32
      %sub3A_656 = vector.broadcast %sub3A_655 : i32 to vector<16xi32>
      %sub3A_657 = arith.subi %sub3A_642, %sub3A_656 : vector<16xi32>
      %scan3A_658 = arith.constant 5 : i32
      %scan3A_659 = arith.addi %scan3A_583, %scan3A_658 : i32
      %mul3A_660 = arith.constant 16 : i32
      %mul3A_661 = arith.muli %scan3A_659, %mul3A_660 : i32
      %get3A_662 = arith.index_cast %mul3A_661 : i32 to index
      %get3A_663 = tpu.vector_load %arg5[%get3A_662] {strides = array<i32>} : memref<2048xi32, #tpu.memory_space<vmem>>, vector<16xi32>,
      %get3A_664 = vector.shape_cast %get3A_663 : vector<16xi32> to vector<16xi32>
      %shift_left3A_665 = arith.constant 13 : i32
      %shift_left3A_666 = vector.broadcast %shift_left3A_665 : i32 to vector<16xi32>
      %shift_left3A_667 = arith.shli %get3A_664, %shift_left3A_666 : vector<16xi32>
      %add3A_668 = arith.addi %shift_left3A_667, %sub3A_657 : vector<16xi32>
      %max3A_669 = arith.maxsi %max3A_654, %add3A_668 : vector<16xi32>
      %sub3A_670 = arith.constant 16 : i32
      %sub3A_671 = vector.broadcast %sub3A_670 : i32 to vector<16xi32>
      %sub3A_672 = arith.subi %sub3A_657, %sub3A_671 : vector<16xi32>
      %scan3A_673 = arith.constant 6 : i32
      %scan3A_674 = arith.addi %scan3A_583, %scan3A_673 : i32
      %mul3A_675 = arith.constant 16 : i32
      %mul3A_676 = arith.muli %scan3A_674, %mul3A_675 : i32
      %get3A_677 = arith.index_cast %mul3A_676 : i32 to index
      %get3A_678 = tpu.vector_load %arg5[%get3A_677] {strides = array<i32>} : memref<2048xi32, #tpu.memory_space<vmem>>, vector<16xi32>,
      %get3A_679 = vector.shape_cast %get3A_678 : vector<16xi32> to vector<16xi32>
      %shift_left3A_680 = arith.constant 13 : i32
      %shift_left3A_681 = vector.broadcast %shift_left3A_680 : i32 to vector<16xi32>
      %shift_left3A_682 = arith.shli %get3A_679, %shift_left3A_681 : vector<16xi32>
      %add3A_683 = arith.addi %shift_left3A_682, %sub3A_672 : vector<16xi32>
      %max3A_684 = arith.maxsi %max3A_669, %add3A_683 : vector<16xi32>
      %sub3A_685 = arith.constant 16 : i32
      %sub3A_686 = vector.broadcast %sub3A_685 : i32 to vector<16xi32>
      %sub3A_687 = arith.subi %sub3A_672, %sub3A_686 : vector<16xi32>
      %scan3A_688 = arith.constant 7 : i32
      %scan3A_689 = arith.addi %scan3A_583, %scan3A_688 : i32
      %mul3A_690 = arith.constant 16 : i32
      %mul3A_691 = arith.muli %scan3A_689, %mul3A_690 : i32
      %get3A_692 = arith.index_cast %mul3A_691 : i32 to index
      %get3A_693 = tpu.vector_load %arg5[%get3A_692] {strides = array<i32>} : memref<2048xi32, #tpu.memory_space<vmem>>, vector<16xi32>,
      %get3A_694 = vector.shape_cast %get3A_693 : vector<16xi32> to vector<16xi32>
      %shift_left3A_695 = arith.constant 13 : i32
      %shift_left3A_696 = vector.broadcast %shift_left3A_695 : i32 to vector<16xi32>
      %shift_left3A_697 = arith.shli %get3A_694, %shift_left3A_696 : vector<16xi32>
      %add3A_698 = arith.addi %shift_left3A_697, %sub3A_687 : vector<16xi32>
      %max3A_699 = arith.maxsi %max3A_684, %add3A_698 : vector<16xi32>
      %sub3A_700 = arith.constant 16 : i32
      %sub3A_701 = vector.broadcast %sub3A_700 : i32 to vector<16xi32>
      %sub3A_702 = arith.subi %sub3A_687, %sub3A_701 : vector<16xi32>
      scf.yield %max3A_699, %sub3A_702 : vector<16xi32>, vector<16xi32>
    }
    %scan3A_102 = arith.constant 64 : i32
    %swap3A = arith.constant 0 : index
    %swap3A_103 = tpu.vector_load %arg6[%swap3A] {strides = array<i32>} : memref<16xi32, #tpu.memory_space<vmem>>, vector<16xi32>,
    %swap3A_104 = vector.shape_cast %swap3A_103 : vector<16xi32> to vector<16xi32>
    %swap3A_105 = vector.shape_cast %scan3A_101#0 : vector<16xi32> to vector<16xi32>
    tpu.vector_store %arg6[%swap3A], %swap3A_105 {strides = array<i32>} : memref<16xi32, #tpu.memory_space<vmem>>, vector<16xi32>,
    %mul3A_106 = arith.constant 16 : i32
    %mul3A_107 = arith.muli %arg1, %mul3A_106 : i32
    "tpu.region"() ({
      %run_scoped3A = tpu.sem_alloc : memref<!tpu.dma_semaphore, #tpu.memory_space<semaphore_mem>>
      %dma_start3A_583 = tpu.memref_slice %arg7[%mul3A_107] : memref<256xi32, #tpu.memory_space<vmem_shared>> -> memref<16xi32, #tpu.memory_space<vmem_shared>>
      %dma_start3A_584 = tpu.memref_slice %arg7[%mul3A_107] : memref<256xi32, #tpu.memory_space<vmem_shared>> -> memref<16xi32, #tpu.memory_space<vmem_shared>>
      tpu.enqueue_dma source(%arg6 : memref<16xi32, #tpu.memory_space<vmem>>) target(%dma_start3A_584 : memref<16xi32, #tpu.memory_space<vmem_shared>>) target_semaphore(%run_scoped3A : memref<!tpu.dma_semaphore, #tpu.memory_space<semaphore_mem>>)
      %dma_wait3A_585 = tpu.memref_slice %arg7[%mul3A_107] : memref<256xi32, #tpu.memory_space<vmem_shared>> -> memref<16xi32, #tpu.memory_space<vmem_shared>>
      %dma_wait3A_586 = tpu.memref_slice %arg7[%mul3A_107] : memref<256xi32, #tpu.memory_space<vmem_shared>> -> memref<16xi32, #tpu.memory_space<vmem_shared>>
      tpu.wait_dma2 semaphore(%run_scoped3A : memref<!tpu.dma_semaphore, #tpu.memory_space<semaphore_mem>>) src(%arg6 : memref<16xi32, #tpu.memory_space<vmem>>) dst(%dma_wait3A_586 : memref<16xi32, #tpu.memory_space<vmem_shared>>)
      tpu.yield
    }) : () -> ()
    %barrier3A = arith.constant 0 : index
    tpu.barrier barrier_id(%barrier3A)
    %mul3A_108 = arith.constant 4 : i32
    %mul3A_109 = arith.muli %select_n3A_40, %mul3A_108 : i32
    %mul3A_110 = arith.constant 16 : i32
    %mul3A_111 = arith.muli %mul3A_109, %mul3A_110 : i32
    "tpu.region"() ({
      %run_scoped3A = tpu.sem_alloc : memref<!tpu.dma_semaphore, #tpu.memory_space<semaphore_mem>>
      %dma_start3A_583 = tpu.memref_slice %arg7[%mul3A_111] : memref<256xi32, #tpu.memory_space<vmem_shared>> -> memref<64xi32, #tpu.memory_space<vmem_shared>>
      %dma_start3A_584 = tpu.memref_slice %arg7[%mul3A_111] : memref<256xi32, #tpu.memory_space<vmem_shared>> -> memref<64xi32, #tpu.memory_space<vmem_shared>>
      tpu.enqueue_dma source(%dma_start3A_584 : memref<64xi32, #tpu.memory_space<vmem_shared>>) target(%arg8 : memref<64xi32, #tpu.memory_space<vmem>>) target_semaphore(%run_scoped3A : memref<!tpu.dma_semaphore, #tpu.memory_space<semaphore_mem>>)
      %dma_wait3A_585 = tpu.memref_slice %arg7[%mul3A_111] : memref<256xi32, #tpu.memory_space<vmem_shared>> -> memref<64xi32, #tpu.memory_space<vmem_shared>>
      %dma_wait3A_586 = tpu.memref_slice %arg7[%mul3A_111] : memref<256xi32, #tpu.memory_space<vmem_shared>> -> memref<64xi32, #tpu.memory_space<vmem_shared>>
      tpu.wait_dma2 semaphore(%run_scoped3A : memref<!tpu.dma_semaphore, #tpu.memory_space<semaphore_mem>>) src(%dma_wait3A_586 : memref<64xi32, #tpu.memory_space<vmem_shared>>) dst(%arg8 : memref<64xi32, #tpu.memory_space<vmem>>)
      tpu.yield
    }) : () -> ()
    %get3A = arith.constant 0 : index
    %get3A_112 = tpu.vector_load %arg8[%get3A] {strides = array<i32>} : memref<64xi32, #tpu.memory_space<vmem>>, vector<16xi32>,
    %get3A_113 = vector.shape_cast %get3A_112 : vector<16xi32> to vector<16xi32>
    %get3A_114 = arith.constant 16 : index
    %get3A_115 = tpu.vector_load %arg8[%get3A_114] {strides = array<i32>} : memref<64xi32, #tpu.memory_space<vmem>>, vector<16xi32>,
    %get3A_116 = vector.shape_cast %get3A_115 : vector<16xi32> to vector<16xi32>
    %max3A = arith.maxsi %get3A_113, %get3A_116 : vector<16xi32>
    %get3A_117 = arith.constant 32 : index
    %get3A_118 = tpu.vector_load %arg8[%get3A_117] {strides = array<i32>} : memref<64xi32, #tpu.memory_space<vmem>>, vector<16xi32>,
    %get3A_119 = vector.shape_cast %get3A_118 : vector<16xi32> to vector<16xi32>
    %max3A_120 = arith.maxsi %max3A, %get3A_119 : vector<16xi32>
    %get3A_121 = arith.constant 48 : index
    %get3A_122 = tpu.vector_load %arg8[%get3A_121] {strides = array<i32>} : memref<64xi32, #tpu.memory_space<vmem>>, vector<16xi32>,
    %get3A_123 = vector.shape_cast %get3A_122 : vector<16xi32> to vector<16xi32>
    %max3A_124 = arith.maxsi %max3A_120, %get3A_123 : vector<16xi32>
    %slice3A = vector.extract_strided_slice %max3A_124 {offsets = [0], sizes = [1], strides = [1]} : vector<16xi32> to vector<1xi32>
    %squeeze3A = vector.extract %slice3A[0] : i32 from vector<1xi32>
    %slice3A_125 = vector.extract_strided_slice %max3A_124 {offsets = [1], sizes = [1], strides = [1]} : vector<16xi32> to vector<1xi32>
    %squeeze3A_126 = vector.extract %slice3A_125[0] : i32 from vector<1xi32>
    %max3A_127 = arith.maxsi %squeeze3A, %squeeze3A_126 : i32
    %slice3A_128 = vector.extract_strided_slice %max3A_124 {offsets = [2], sizes = [1], strides = [1]} : vector<16xi32> to vector<1xi32>
    %squeeze3A_129 = vector.extract %slice3A_128[0] : i32 from vector<1xi32>
    %max3A_130 = arith.maxsi %max3A_127, %squeeze3A_129 : i32
    %slice3A_131 = vector.extract_strided_slice %max3A_124 {offsets = [3], sizes = [1], strides = [1]} : vector<16xi32> to vector<1xi32>
    %squeeze3A_132 = vector.extract %slice3A_131[0] : i32 from vector<1xi32>
    %max3A_133 = arith.maxsi %max3A_130, %squeeze3A_132 : i32
    %slice3A_134 = vector.extract_strided_slice %max3A_124 {offsets = [4], sizes = [1], strides = [1]} : vector<16xi32> to vector<1xi32>
    %squeeze3A_135 = vector.extract %slice3A_134[0] : i32 from vector<1xi32>
    %max3A_136 = arith.maxsi %max3A_133, %squeeze3A_135 : i32
    %slice3A_137 = vector.extract_strided_slice %max3A_124 {offsets = [5], sizes = [1], strides = [1]} : vector<16xi32> to vector<1xi32>
    %squeeze3A_138 = vector.extract %slice3A_137[0] : i32 from vector<1xi32>
    %max3A_139 = arith.maxsi %max3A_136, %squeeze3A_138 : i32
    %slice3A_140 = vector.extract_strided_slice %max3A_124 {offsets = [6], sizes = [1], strides = [1]} : vector<16xi32> to vector<1xi32>
    %squeeze3A_141 = vector.extract %slice3A_140[0] : i32 from vector<1xi32>
    %max3A_142 = arith.maxsi %max3A_139, %squeeze3A_141 : i32
    %slice3A_143 = vector.extract_strided_slice %max3A_124 {offsets = [7], sizes = [1], strides = [1]} : vector<16xi32> to vector<1xi32>
    %squeeze3A_144 = vector.extract %slice3A_143[0] : i32 from vector<1xi32>
    %max3A_145 = arith.maxsi %max3A_142, %squeeze3A_144 : i32
    %slice3A_146 = vector.extract_strided_slice %max3A_124 {offsets = [8], sizes = [1], strides = [1]} : vector<16xi32> to vector<1xi32>
    %squeeze3A_147 = vector.extract %slice3A_146[0] : i32 from vector<1xi32>
    %max3A_148 = arith.maxsi %max3A_145, %squeeze3A_147 : i32
    %slice3A_149 = vector.extract_strided_slice %max3A_124 {offsets = [9], sizes = [1], strides = [1]} : vector<16xi32> to vector<1xi32>
    %squeeze3A_150 = vector.extract %slice3A_149[0] : i32 from vector<1xi32>
    %max3A_151 = arith.maxsi %max3A_148, %squeeze3A_150 : i32
    %slice3A_152 = vector.extract_strided_slice %max3A_124 {offsets = [10], sizes = [1], strides = [1]} : vector<16xi32> to vector<1xi32>
    %squeeze3A_153 = vector.extract %slice3A_152[0] : i32 from vector<1xi32>
    %max3A_154 = arith.maxsi %max3A_151, %squeeze3A_153 : i32
    %slice3A_155 = vector.extract_strided_slice %max3A_124 {offsets = [11], sizes = [1], strides = [1]} : vector<16xi32> to vector<1xi32>
    %squeeze3A_156 = vector.extract %slice3A_155[0] : i32 from vector<1xi32>
    %max3A_157 = arith.maxsi %max3A_154, %squeeze3A_156 : i32
    %slice3A_158 = vector.extract_strided_slice %max3A_124 {offsets = [12], sizes = [1], strides = [1]} : vector<16xi32> to vector<1xi32>
    %squeeze3A_159 = vector.extract %slice3A_158[0] : i32 from vector<1xi32>
    %max3A_160 = arith.maxsi %max3A_157, %squeeze3A_159 : i32
    %slice3A_161 = vector.extract_strided_slice %max3A_124 {offsets = [13], sizes = [1], strides = [1]} : vector<16xi32> to vector<1xi32>
    %squeeze3A_162 = vector.extract %slice3A_161[0] : i32 from vector<1xi32>
    %max3A_163 = arith.maxsi %max3A_160, %squeeze3A_162 : i32
    %slice3A_164 = vector.extract_strided_slice %max3A_124 {offsets = [14], sizes = [1], strides = [1]} : vector<16xi32> to vector<1xi32>
    %squeeze3A_165 = vector.extract %slice3A_164[0] : i32 from vector<1xi32>
    %max3A_166 = arith.maxsi %max3A_163, %squeeze3A_165 : i32
    %slice3A_167 = vector.extract_strided_slice %max3A_124 {offsets = [15], sizes = [1], strides = [1]} : vector<16xi32> to vector<1xi32>
    %squeeze3A_168 = vector.extract %slice3A_167[0] : i32 from vector<1xi32>
    %max3A_169 = arith.maxsi %max3A_166, %squeeze3A_168 : i32
    %rem3A_170 = arith.constant 8192 : i32
    %rem3A_171 = arith.remsi %max3A_169, %rem3A_170 : i32
    %sub3A_172 = arith.constant 8191 : i32
    %sub3A_173 = arith.subi %sub3A_172, %rem3A_171 : i32
    %broadcast_in_dim3A_174 = arith.constant 0 : i32
    %broadcast_in_dim3A_175 = vector.broadcast %broadcast_in_dim3A_174 : i32 to vector<16xi32>
    %mul3A_176 = arith.constant 8192 : i32
    %mul3A_177 = arith.muli %add3A, %mul3A_176 : i32
    %add3A_178 = arith.addi %mul3A_177, %sub3A_173 : i32
    %add3A_179 = vector.broadcast %add3A_178 : i32 to vector<16xi32>
    %add3A_180 = arith.addi %broadcast_in_dim3A_175, %add3A_179 : vector<16xi32>
    %swap3A_181 = arith.constant 0 : index
    %swap3A_182 = tpu.vector_load %arg9[%swap3A_181] {strides = array<i32>} : memref<16xi32, #tpu.memory_space<vmem>>, vector<16xi32>,
    %swap3A_183 = vector.shape_cast %swap3A_182 : vector<16xi32> to vector<16xi32>
    %swap3A_184 = vector.shape_cast %add3A_180 : vector<16xi32> to vector<16xi32>
    tpu.vector_store %arg9[%swap3A_181], %swap3A_184 {strides = array<i32>} : memref<16xi32, #tpu.memory_space<vmem>>, vector<16xi32>,
    %mul3A_185 = arith.constant 512 : i32
    %mul3A_186 = arith.muli %select_n3A_54, %mul3A_185 : i32
    %dma_start3A_187 = arith.constant 0 : i32
    %dma_start3A_188 = tpu.memref_slice %arg9[%dma_start3A_187] : memref<16xi32, #tpu.memory_space<vmem>> -> memref<1xi32, #tpu.memory_space<vmem>>
    %dma_start3A_189 = arith.constant 0 : i32
    %dma_start3A_190 = tpu.memref_slice %arg2[%dma_start3A_189, %mul3A_186] : memref<32768x2048xf32, #tpu.memory_space<hbm>> -> memref<32768x512xf32, #tpu.memory_space<hbm>>
    tpu.enqueue_indirect_dma source(%dma_start3A_190 : memref<32768x512xf32, #tpu.memory_space<hbm>>) target(%arg10 : memref<1x512xf32, #tpu.memory_space<vmem>>) offsets(%dma_start3A_188 : memref<1xi32, #tpu.memory_space<vmem>>) semaphore(%arg12 : memref<!tpu.dma_semaphore, #tpu.memory_space<semaphore_mem>>)
    %dma_wait3A_191 = arith.constant 0 : i32
    %dma_wait3A_192 = tpu.memref_slice %arg9[%dma_wait3A_191] : memref<16xi32, #tpu.memory_space<vmem>> -> memref<1xi32, #tpu.memory_space<vmem>>
    %dma_wait3A_193 = arith.constant 0 : i32
    %dma_wait3A_194 = tpu.memref_slice %arg2[%dma_wait3A_193, %mul3A_186] : memref<32768x2048xf32, #tpu.memory_space<hbm>> -> memref<32768x512xf32, #tpu.memory_space<hbm>>
    tpu.wait_indirect_dma semaphore(%arg12 : memref<!tpu.dma_semaphore, #tpu.memory_space<semaphore_mem>>) src(%dma_wait3A_194 : memref<32768x512xf32, #tpu.memory_space<hbm>>) dst(%arg10 : memref<1x512xf32, #tpu.memory_space<vmem>>)
    %get3A_195 = arith.constant 0 : i32
    %get3A_196 = arith.index_cast %get3A_195 : i32 to index
    %get3A_197 = arith.constant 0 : index
    %get3A_198 = tpu.vector_load %arg10[%get3A_196, %get3A_197] {strides = array<i32>} : memref<1x512xf32, #tpu.memory_space<vmem>>, vector<1x16xf32>,
    %get3A_199 = vector.shape_cast %get3A_198 : vector<1x16xf32> to vector<16xf32>
    %mul3A_200 = arith.mulf %get3A_199, %get3A_199 : vector<16xf32>
    %mul3A_201 = arith.mulf %mul3A_200, %mul3A_200 : vector<16xf32>
    %swap3A_202 = arith.constant 0 : index
    %swap3A_203 = tpu.vector_load %arg11[%swap3A_202] {strides = array<i32>} : memref<512xf32, #tpu.memory_space<vmem>>, vector<16xf32>,
    %swap3A_204 = vector.shape_cast %swap3A_203 : vector<16xf32> to vector<16xf32>
    %swap3A_205 = vector.shape_cast %mul3A_201 : vector<16xf32> to vector<16xf32>
    tpu.vector_store %arg11[%swap3A_202], %swap3A_205 {strides = array<i32>} : memref<512xf32, #tpu.memory_space<vmem>>, vector<16xf32>,
    %get3A_206 = arith.constant 0 : i32
    %get3A_207 = arith.index_cast %get3A_206 : i32 to index
    %get3A_208 = arith.constant 16 : index
    %get3A_209 = tpu.vector_load %arg10[%get3A_207, %get3A_208] {strides = array<i32>} : memref<1x512xf32, #tpu.memory_space<vmem>>, vector<1x16xf32>,
    %get3A_210 = vector.shape_cast %get3A_209 : vector<1x16xf32> to vector<16xf32>
    %mul3A_211 = arith.mulf %get3A_210, %get3A_210 : vector<16xf32>
    %mul3A_212 = arith.mulf %mul3A_211, %mul3A_211 : vector<16xf32>
    %swap3A_213 = arith.constant 16 : index
    %swap3A_214 = tpu.vector_load %arg11[%swap3A_213] {strides = array<i32>} : memref<512xf32, #tpu.memory_space<vmem>>, vector<16xf32>,
    %swap3A_215 = vector.shape_cast %swap3A_214 : vector<16xf32> to vector<16xf32>
    %swap3A_216 = vector.shape_cast %mul3A_212 : vector<16xf32> to vector<16xf32>
    tpu.vector_store %arg11[%swap3A_213], %swap3A_216 {strides = array<i32>} : memref<512xf32, #tpu.memory_space<vmem>>, vector<16xf32>,
    %get3A_217 = arith.constant 0 : i32
    %get3A_218 = arith.index_cast %get3A_217 : i32 to index
    %get3A_219 = arith.constant 32 : index
    %get3A_220 = tpu.vector_load %arg10[%get3A_218, %get3A_219] {strides = array<i32>} : memref<1x512xf32, #tpu.memory_space<vmem>>, vector<1x16xf32>,
    %get3A_221 = vector.shape_cast %get3A_220 : vector<1x16xf32> to vector<16xf32>
    %mul3A_222 = arith.mulf %get3A_221, %get3A_221 : vector<16xf32>
    %mul3A_223 = arith.mulf %mul3A_222, %mul3A_222 : vector<16xf32>
    %swap3A_224 = arith.constant 32 : index
    %swap3A_225 = tpu.vector_load %arg11[%swap3A_224] {strides = array<i32>} : memref<512xf32, #tpu.memory_space<vmem>>, vector<16xf32>,
    %swap3A_226 = vector.shape_cast %swap3A_225 : vector<16xf32> to vector<16xf32>
    %swap3A_227 = vector.shape_cast %mul3A_223 : vector<16xf32> to vector<16xf32>
    tpu.vector_store %arg11[%swap3A_224], %swap3A_227 {strides = array<i32>} : memref<512xf32, #tpu.memory_space<vmem>>, vector<16xf32>,
    %get3A_228 = arith.constant 0 : i32
    %get3A_229 = arith.index_cast %get3A_228 : i32 to index
    %get3A_230 = arith.constant 48 : index
    %get3A_231 = tpu.vector_load %arg10[%get3A_229, %get3A_230] {strides = array<i32>} : memref<1x512xf32, #tpu.memory_space<vmem>>, vector<1x16xf32>,
    %get3A_232 = vector.shape_cast %get3A_231 : vector<1x16xf32> to vector<16xf32>
    %mul3A_233 = arith.mulf %get3A_232, %get3A_232 : vector<16xf32>
    %mul3A_234 = arith.mulf %mul3A_233, %mul3A_233 : vector<16xf32>
    %swap3A_235 = arith.constant 48 : index
    %swap3A_236 = tpu.vector_load %arg11[%swap3A_235] {strides = array<i32>} : memref<512xf32, #tpu.memory_space<vmem>>, vector<16xf32>,
    %swap3A_237 = vector.shape_cast %swap3A_236 : vector<16xf32> to vector<16xf32>
    %swap3A_238 = vector.shape_cast %mul3A_234 : vector<16xf32> to vector<16xf32>
    tpu.vector_store %arg11[%swap3A_235], %swap3A_238 {strides = array<i32>} : memref<512xf32, #tpu.memory_space<vmem>>, vector<16xf32>,
    %get3A_239 = arith.constant 0 : i32
    %get3A_240 = arith.index_cast %get3A_239 : i32 to index
    %get3A_241 = arith.constant 64 : index
    %get3A_242 = tpu.vector_load %arg10[%get3A_240, %get3A_241] {strides = array<i32>} : memref<1x512xf32, #tpu.memory_space<vmem>>, vector<1x16xf32>,
    %get3A_243 = vector.shape_cast %get3A_242 : vector<1x16xf32> to vector<16xf32>
    %mul3A_244 = arith.mulf %get3A_243, %get3A_243 : vector<16xf32>
    %mul3A_245 = arith.mulf %mul3A_244, %mul3A_244 : vector<16xf32>
    %swap3A_246 = arith.constant 64 : index
    %swap3A_247 = tpu.vector_load %arg11[%swap3A_246] {strides = array<i32>} : memref<512xf32, #tpu.memory_space<vmem>>, vector<16xf32>,
    %swap3A_248 = vector.shape_cast %swap3A_247 : vector<16xf32> to vector<16xf32>
    %swap3A_249 = vector.shape_cast %mul3A_245 : vector<16xf32> to vector<16xf32>
    tpu.vector_store %arg11[%swap3A_246], %swap3A_249 {strides = array<i32>} : memref<512xf32, #tpu.memory_space<vmem>>, vector<16xf32>,
    %get3A_250 = arith.constant 0 : i32
    %get3A_251 = arith.index_cast %get3A_250 : i32 to index
    %get3A_252 = arith.constant 80 : index
    %get3A_253 = tpu.vector_load %arg10[%get3A_251, %get3A_252] {strides = array<i32>} : memref<1x512xf32, #tpu.memory_space<vmem>>, vector<1x16xf32>,
    %get3A_254 = vector.shape_cast %get3A_253 : vector<1x16xf32> to vector<16xf32>
    %mul3A_255 = arith.mulf %get3A_254, %get3A_254 : vector<16xf32>
    %mul3A_256 = arith.mulf %mul3A_255, %mul3A_255 : vector<16xf32>
    %swap3A_257 = arith.constant 80 : index
    %swap3A_258 = tpu.vector_load %arg11[%swap3A_257] {strides = array<i32>} : memref<512xf32, #tpu.memory_space<vmem>>, vector<16xf32>,
    %swap3A_259 = vector.shape_cast %swap3A_258 : vector<16xf32> to vector<16xf32>
    %swap3A_260 = vector.shape_cast %mul3A_256 : vector<16xf32> to vector<16xf32>
    tpu.vector_store %arg11[%swap3A_257], %swap3A_260 {strides = array<i32>} : memref<512xf32, #tpu.memory_space<vmem>>, vector<16xf32>,
    %get3A_261 = arith.constant 0 : i32
    %get3A_262 = arith.index_cast %get3A_261 : i32 to index
    %get3A_263 = arith.constant 96 : index
    %get3A_264 = tpu.vector_load %arg10[%get3A_262, %get3A_263] {strides = array<i32>} : memref<1x512xf32, #tpu.memory_space<vmem>>, vector<1x16xf32>,
    %get3A_265 = vector.shape_cast %get3A_264 : vector<1x16xf32> to vector<16xf32>
    %mul3A_266 = arith.mulf %get3A_265, %get3A_265 : vector<16xf32>
    %mul3A_267 = arith.mulf %mul3A_266, %mul3A_266 : vector<16xf32>
    %swap3A_268 = arith.constant 96 : index
    %swap3A_269 = tpu.vector_load %arg11[%swap3A_268] {strides = array<i32>} : memref<512xf32, #tpu.memory_space<vmem>>, vector<16xf32>,
    %swap3A_270 = vector.shape_cast %swap3A_269 : vector<16xf32> to vector<16xf32>
    %swap3A_271 = vector.shape_cast %mul3A_267 : vector<16xf32> to vector<16xf32>
    tpu.vector_store %arg11[%swap3A_268], %swap3A_271 {strides = array<i32>} : memref<512xf32, #tpu.memory_space<vmem>>, vector<16xf32>,
    %get3A_272 = arith.constant 0 : i32
    %get3A_273 = arith.index_cast %get3A_272 : i32 to index
    %get3A_274 = arith.constant 112 : index
    %get3A_275 = tpu.vector_load %arg10[%get3A_273, %get3A_274] {strides = array<i32>} : memref<1x512xf32, #tpu.memory_space<vmem>>, vector<1x16xf32>,
    %get3A_276 = vector.shape_cast %get3A_275 : vector<1x16xf32> to vector<16xf32>
    %mul3A_277 = arith.mulf %get3A_276, %get3A_276 : vector<16xf32>
    %mul3A_278 = arith.mulf %mul3A_277, %mul3A_277 : vector<16xf32>
    %swap3A_279 = arith.constant 112 : index
    %swap3A_280 = tpu.vector_load %arg11[%swap3A_279] {strides = array<i32>} : memref<512xf32, #tpu.memory_space<vmem>>, vector<16xf32>,
    %swap3A_281 = vector.shape_cast %swap3A_280 : vector<16xf32> to vector<16xf32>
    %swap3A_282 = vector.shape_cast %mul3A_278 : vector<16xf32> to vector<16xf32>
    tpu.vector_store %arg11[%swap3A_279], %swap3A_282 {strides = array<i32>} : memref<512xf32, #tpu.memory_space<vmem>>, vector<16xf32>,
    %get3A_283 = arith.constant 0 : i32
    %get3A_284 = arith.index_cast %get3A_283 : i32 to index
    %get3A_285 = arith.constant 128 : index
    %get3A_286 = tpu.vector_load %arg10[%get3A_284, %get3A_285] {strides = array<i32>} : memref<1x512xf32, #tpu.memory_space<vmem>>, vector<1x16xf32>,
    %get3A_287 = vector.shape_cast %get3A_286 : vector<1x16xf32> to vector<16xf32>
    %mul3A_288 = arith.mulf %get3A_287, %get3A_287 : vector<16xf32>
    %mul3A_289 = arith.mulf %mul3A_288, %mul3A_288 : vector<16xf32>
    %swap3A_290 = arith.constant 128 : index
    %swap3A_291 = tpu.vector_load %arg11[%swap3A_290] {strides = array<i32>} : memref<512xf32, #tpu.memory_space<vmem>>, vector<16xf32>,
    %swap3A_292 = vector.shape_cast %swap3A_291 : vector<16xf32> to vector<16xf32>
    %swap3A_293 = vector.shape_cast %mul3A_289 : vector<16xf32> to vector<16xf32>
    tpu.vector_store %arg11[%swap3A_290], %swap3A_293 {strides = array<i32>} : memref<512xf32, #tpu.memory_space<vmem>>, vector<16xf32>,
    %get3A_294 = arith.constant 0 : i32
    %get3A_295 = arith.index_cast %get3A_294 : i32 to index
    %get3A_296 = arith.constant 144 : index
    %get3A_297 = tpu.vector_load %arg10[%get3A_295, %get3A_296] {strides = array<i32>} : memref<1x512xf32, #tpu.memory_space<vmem>>, vector<1x16xf32>,
    %get3A_298 = vector.shape_cast %get3A_297 : vector<1x16xf32> to vector<16xf32>
    %mul3A_299 = arith.mulf %get3A_298, %get3A_298 : vector<16xf32>
    %mul3A_300 = arith.mulf %mul3A_299, %mul3A_299 : vector<16xf32>
    %swap3A_301 = arith.constant 144 : index
    %swap3A_302 = tpu.vector_load %arg11[%swap3A_301] {strides = array<i32>} : memref<512xf32, #tpu.memory_space<vmem>>, vector<16xf32>,
    %swap3A_303 = vector.shape_cast %swap3A_302 : vector<16xf32> to vector<16xf32>
    %swap3A_304 = vector.shape_cast %mul3A_300 : vector<16xf32> to vector<16xf32>
    tpu.vector_store %arg11[%swap3A_301], %swap3A_304 {strides = array<i32>} : memref<512xf32, #tpu.memory_space<vmem>>, vector<16xf32>,
    %get3A_305 = arith.constant 0 : i32
    %get3A_306 = arith.index_cast %get3A_305 : i32 to index
    %get3A_307 = arith.constant 160 : index
    %get3A_308 = tpu.vector_load %arg10[%get3A_306, %get3A_307] {strides = array<i32>} : memref<1x512xf32, #tpu.memory_space<vmem>>, vector<1x16xf32>,
    %get3A_309 = vector.shape_cast %get3A_308 : vector<1x16xf32> to vector<16xf32>
    %mul3A_310 = arith.mulf %get3A_309, %get3A_309 : vector<16xf32>
    %mul3A_311 = arith.mulf %mul3A_310, %mul3A_310 : vector<16xf32>
    %swap3A_312 = arith.constant 160 : index
    %swap3A_313 = tpu.vector_load %arg11[%swap3A_312] {strides = array<i32>} : memref<512xf32, #tpu.memory_space<vmem>>, vector<16xf32>,
    %swap3A_314 = vector.shape_cast %swap3A_313 : vector<16xf32> to vector<16xf32>
    %swap3A_315 = vector.shape_cast %mul3A_311 : vector<16xf32> to vector<16xf32>
    tpu.vector_store %arg11[%swap3A_312], %swap3A_315 {strides = array<i32>} : memref<512xf32, #tpu.memory_space<vmem>>, vector<16xf32>,
    %get3A_316 = arith.constant 0 : i32
    %get3A_317 = arith.index_cast %get3A_316 : i32 to index
    %get3A_318 = arith.constant 176 : index
    %get3A_319 = tpu.vector_load %arg10[%get3A_317, %get3A_318] {strides = array<i32>} : memref<1x512xf32, #tpu.memory_space<vmem>>, vector<1x16xf32>,
    %get3A_320 = vector.shape_cast %get3A_319 : vector<1x16xf32> to vector<16xf32>
    %mul3A_321 = arith.mulf %get3A_320, %get3A_320 : vector<16xf32>
    %mul3A_322 = arith.mulf %mul3A_321, %mul3A_321 : vector<16xf32>
    %swap3A_323 = arith.constant 176 : index
    %swap3A_324 = tpu.vector_load %arg11[%swap3A_323] {strides = array<i32>} : memref<512xf32, #tpu.memory_space<vmem>>, vector<16xf32>,
    %swap3A_325 = vector.shape_cast %swap3A_324 : vector<16xf32> to vector<16xf32>
    %swap3A_326 = vector.shape_cast %mul3A_322 : vector<16xf32> to vector<16xf32>
    tpu.vector_store %arg11[%swap3A_323], %swap3A_326 {strides = array<i32>} : memref<512xf32, #tpu.memory_space<vmem>>, vector<16xf32>,
    %get3A_327 = arith.constant 0 : i32
    %get3A_328 = arith.index_cast %get3A_327 : i32 to index
    %get3A_329 = arith.constant 192 : index
    %get3A_330 = tpu.vector_load %arg10[%get3A_328, %get3A_329] {strides = array<i32>} : memref<1x512xf32, #tpu.memory_space<vmem>>, vector<1x16xf32>,
    %get3A_331 = vector.shape_cast %get3A_330 : vector<1x16xf32> to vector<16xf32>
    %mul3A_332 = arith.mulf %get3A_331, %get3A_331 : vector<16xf32>
    %mul3A_333 = arith.mulf %mul3A_332, %mul3A_332 : vector<16xf32>
    %swap3A_334 = arith.constant 192 : index
    %swap3A_335 = tpu.vector_load %arg11[%swap3A_334] {strides = array<i32>} : memref<512xf32, #tpu.memory_space<vmem>>, vector<16xf32>,
    %swap3A_336 = vector.shape_cast %swap3A_335 : vector<16xf32> to vector<16xf32>
    %swap3A_337 = vector.shape_cast %mul3A_333 : vector<16xf32> to vector<16xf32>
    tpu.vector_store %arg11[%swap3A_334], %swap3A_337 {strides = array<i32>} : memref<512xf32, #tpu.memory_space<vmem>>, vector<16xf32>,
    %get3A_338 = arith.constant 0 : i32
    %get3A_339 = arith.index_cast %get3A_338 : i32 to index
    %get3A_340 = arith.constant 208 : index
    %get3A_341 = tpu.vector_load %arg10[%get3A_339, %get3A_340] {strides = array<i32>} : memref<1x512xf32, #tpu.memory_space<vmem>>, vector<1x16xf32>,
    %get3A_342 = vector.shape_cast %get3A_341 : vector<1x16xf32> to vector<16xf32>
    %mul3A_343 = arith.mulf %get3A_342, %get3A_342 : vector<16xf32>
    %mul3A_344 = arith.mulf %mul3A_343, %mul3A_343 : vector<16xf32>
    %swap3A_345 = arith.constant 208 : index
    %swap3A_346 = tpu.vector_load %arg11[%swap3A_345] {strides = array<i32>} : memref<512xf32, #tpu.memory_space<vmem>>, vector<16xf32>,
    %swap3A_347 = vector.shape_cast %swap3A_346 : vector<16xf32> to vector<16xf32>
    %swap3A_348 = vector.shape_cast %mul3A_344 : vector<16xf32> to vector<16xf32>
    tpu.vector_store %arg11[%swap3A_345], %swap3A_348 {strides = array<i32>} : memref<512xf32, #tpu.memory_space<vmem>>, vector<16xf32>,
    %get3A_349 = arith.constant 0 : i32
    %get3A_350 = arith.index_cast %get3A_349 : i32 to index
    %get3A_351 = arith.constant 224 : index
    %get3A_352 = tpu.vector_load %arg10[%get3A_350, %get3A_351] {strides = array<i32>} : memref<1x512xf32, #tpu.memory_space<vmem>>, vector<1x16xf32>,
    %get3A_353 = vector.shape_cast %get3A_352 : vector<1x16xf32> to vector<16xf32>
    %mul3A_354 = arith.mulf %get3A_353, %get3A_353 : vector<16xf32>
    %mul3A_355 = arith.mulf %mul3A_354, %mul3A_354 : vector<16xf32>
    %swap3A_356 = arith.constant 224 : index
    %swap3A_357 = tpu.vector_load %arg11[%swap3A_356] {strides = array<i32>} : memref<512xf32, #tpu.memory_space<vmem>>, vector<16xf32>,
    %swap3A_358 = vector.shape_cast %swap3A_357 : vector<16xf32> to vector<16xf32>
    %swap3A_359 = vector.shape_cast %mul3A_355 : vector<16xf32> to vector<16xf32>
    tpu.vector_store %arg11[%swap3A_356], %swap3A_359 {strides = array<i32>} : memref<512xf32, #tpu.memory_space<vmem>>, vector<16xf32>,
    %get3A_360 = arith.constant 0 : i32
    %get3A_361 = arith.index_cast %get3A_360 : i32 to index
    %get3A_362 = arith.constant 240 : index
    %get3A_363 = tpu.vector_load %arg10[%get3A_361, %get3A_362] {strides = array<i32>} : memref<1x512xf32, #tpu.memory_space<vmem>>, vector<1x16xf32>,
    %get3A_364 = vector.shape_cast %get3A_363 : vector<1x16xf32> to vector<16xf32>
    %mul3A_365 = arith.mulf %get3A_364, %get3A_364 : vector<16xf32>
    %mul3A_366 = arith.mulf %mul3A_365, %mul3A_365 : vector<16xf32>
    %swap3A_367 = arith.constant 240 : index
    %swap3A_368 = tpu.vector_load %arg11[%swap3A_367] {strides = array<i32>} : memref<512xf32, #tpu.memory_space<vmem>>, vector<16xf32>,
    %swap3A_369 = vector.shape_cast %swap3A_368 : vector<16xf32> to vector<16xf32>
    %swap3A_370 = vector.shape_cast %mul3A_366 : vector<16xf32> to vector<16xf32>
    tpu.vector_store %arg11[%swap3A_367], %swap3A_370 {strides = array<i32>} : memref<512xf32, #tpu.memory_space<vmem>>, vector<16xf32>,
    %mul3A_371 = arith.constant 2048 : i32
    %mul3A_372 = arith.muli %add3A, %mul3A_371 : i32
    %mul3A_373 = arith.constant 512 : i32
    %mul3A_374 = arith.muli %select_n3A_54, %mul3A_373 : i32
    %add3A_375 = arith.addi %mul3A_372, %mul3A_374 : i32
    %dma_start3A_376 = arith.constant 0 : i32
    %dma_start3A_377 = tpu.memref_slice %arg11[%dma_start3A_376] : memref<512xf32, #tpu.memory_space<vmem>> -> memref<256xf32, #tpu.memory_space<vmem>>
    %dma_start3A_378 = tpu.memref_slice %arg4[%add3A_375] : memref<8192xf32, #tpu.memory_space<hbm>> -> memref<256xf32, #tpu.memory_space<hbm>>
    %dma_start3A_379 = tpu.memref_slice %arg4[%add3A_375] : memref<8192xf32, #tpu.memory_space<hbm>> -> memref<256xf32, #tpu.memory_space<hbm>>
    %dma_start3A_380 = arith.constant 0 : i32
    %dma_start3A_381 = tpu.memref_slice %arg11[%dma_start3A_380] : memref<512xf32, #tpu.memory_space<vmem>> -> memref<256xf32, #tpu.memory_space<vmem>>
    tpu.enqueue_dma source(%dma_start3A_381 : memref<256xf32, #tpu.memory_space<vmem>>) target(%dma_start3A_379 : memref<256xf32, #tpu.memory_space<hbm>>) target_semaphore(%arg14 : memref<!tpu.dma_semaphore, #tpu.memory_space<semaphore_mem>>)
    %get3A_382 = arith.constant 0 : i32
    %get3A_383 = arith.index_cast %get3A_382 : i32 to index
    %get3A_384 = arith.constant 256 : index
    %get3A_385 = tpu.vector_load %arg10[%get3A_383, %get3A_384] {strides = array<i32>} : memref<1x512xf32, #tpu.memory_space<vmem>>, vector<1x16xf32>,
    %get3A_386 = vector.shape_cast %get3A_385 : vector<1x16xf32> to vector<16xf32>
    %mul3A_387 = arith.mulf %get3A_386, %get3A_386 : vector<16xf32>
    %mul3A_388 = arith.mulf %mul3A_387, %mul3A_387 : vector<16xf32>
    %swap3A_389 = arith.constant 256 : index
    %swap3A_390 = tpu.vector_load %arg11[%swap3A_389] {strides = array<i32>} : memref<512xf32, #tpu.memory_space<vmem>>, vector<16xf32>,
    %swap3A_391 = vector.shape_cast %swap3A_390 : vector<16xf32> to vector<16xf32>
    %swap3A_392 = vector.shape_cast %mul3A_388 : vector<16xf32> to vector<16xf32>
    tpu.vector_store %arg11[%swap3A_389], %swap3A_392 {strides = array<i32>} : memref<512xf32, #tpu.memory_space<vmem>>, vector<16xf32>,
    %get3A_393 = arith.constant 0 : i32
    %get3A_394 = arith.index_cast %get3A_393 : i32 to index
    %get3A_395 = arith.constant 272 : index
    %get3A_396 = tpu.vector_load %arg10[%get3A_394, %get3A_395] {strides = array<i32>} : memref<1x512xf32, #tpu.memory_space<vmem>>, vector<1x16xf32>,
    %get3A_397 = vector.shape_cast %get3A_396 : vector<1x16xf32> to vector<16xf32>
    %mul3A_398 = arith.mulf %get3A_397, %get3A_397 : vector<16xf32>
    %mul3A_399 = arith.mulf %mul3A_398, %mul3A_398 : vector<16xf32>
    %swap3A_400 = arith.constant 272 : index
    %swap3A_401 = tpu.vector_load %arg11[%swap3A_400] {strides = array<i32>} : memref<512xf32, #tpu.memory_space<vmem>>, vector<16xf32>,
    %swap3A_402 = vector.shape_cast %swap3A_401 : vector<16xf32> to vector<16xf32>
    %swap3A_403 = vector.shape_cast %mul3A_399 : vector<16xf32> to vector<16xf32>
    tpu.vector_store %arg11[%swap3A_400], %swap3A_403 {strides = array<i32>} : memref<512xf32, #tpu.memory_space<vmem>>, vector<16xf32>,
    %get3A_404 = arith.constant 0 : i32
    %get3A_405 = arith.index_cast %get3A_404 : i32 to index
    %get3A_406 = arith.constant 288 : index
    %get3A_407 = tpu.vector_load %arg10[%get3A_405, %get3A_406] {strides = array<i32>} : memref<1x512xf32, #tpu.memory_space<vmem>>, vector<1x16xf32>,
    %get3A_408 = vector.shape_cast %get3A_407 : vector<1x16xf32> to vector<16xf32>
    %mul3A_409 = arith.mulf %get3A_408, %get3A_408 : vector<16xf32>
    %mul3A_410 = arith.mulf %mul3A_409, %mul3A_409 : vector<16xf32>
    %swap3A_411 = arith.constant 288 : index
    %swap3A_412 = tpu.vector_load %arg11[%swap3A_411] {strides = array<i32>} : memref<512xf32, #tpu.memory_space<vmem>>, vector<16xf32>,
    %swap3A_413 = vector.shape_cast %swap3A_412 : vector<16xf32> to vector<16xf32>
    %swap3A_414 = vector.shape_cast %mul3A_410 : vector<16xf32> to vector<16xf32>
    tpu.vector_store %arg11[%swap3A_411], %swap3A_414 {strides = array<i32>} : memref<512xf32, #tpu.memory_space<vmem>>, vector<16xf32>,
    %get3A_415 = arith.constant 0 : i32
    %get3A_416 = arith.index_cast %get3A_415 : i32 to index
    %get3A_417 = arith.constant 304 : index
    %get3A_418 = tpu.vector_load %arg10[%get3A_416, %get3A_417] {strides = array<i32>} : memref<1x512xf32, #tpu.memory_space<vmem>>, vector<1x16xf32>,
    %get3A_419 = vector.shape_cast %get3A_418 : vector<1x16xf32> to vector<16xf32>
    %mul3A_420 = arith.mulf %get3A_419, %get3A_419 : vector<16xf32>
    %mul3A_421 = arith.mulf %mul3A_420, %mul3A_420 : vector<16xf32>
    %swap3A_422 = arith.constant 304 : index
    %swap3A_423 = tpu.vector_load %arg11[%swap3A_422] {strides = array<i32>} : memref<512xf32, #tpu.memory_space<vmem>>, vector<16xf32>,
    %swap3A_424 = vector.shape_cast %swap3A_423 : vector<16xf32> to vector<16xf32>
    %swap3A_425 = vector.shape_cast %mul3A_421 : vector<16xf32> to vector<16xf32>
    tpu.vector_store %arg11[%swap3A_422], %swap3A_425 {strides = array<i32>} : memref<512xf32, #tpu.memory_space<vmem>>, vector<16xf32>,
    %get3A_426 = arith.constant 0 : i32
    %get3A_427 = arith.index_cast %get3A_426 : i32 to index
    %get3A_428 = arith.constant 320 : index
    %get3A_429 = tpu.vector_load %arg10[%get3A_427, %get3A_428] {strides = array<i32>} : memref<1x512xf32, #tpu.memory_space<vmem>>, vector<1x16xf32>,
    %get3A_430 = vector.shape_cast %get3A_429 : vector<1x16xf32> to vector<16xf32>
    %mul3A_431 = arith.mulf %get3A_430, %get3A_430 : vector<16xf32>
    %mul3A_432 = arith.mulf %mul3A_431, %mul3A_431 : vector<16xf32>
    %swap3A_433 = arith.constant 320 : index
    %swap3A_434 = tpu.vector_load %arg11[%swap3A_433] {strides = array<i32>} : memref<512xf32, #tpu.memory_space<vmem>>, vector<16xf32>,
    %swap3A_435 = vector.shape_cast %swap3A_434 : vector<16xf32> to vector<16xf32>
    %swap3A_436 = vector.shape_cast %mul3A_432 : vector<16xf32> to vector<16xf32>
    tpu.vector_store %arg11[%swap3A_433], %swap3A_436 {strides = array<i32>} : memref<512xf32, #tpu.memory_space<vmem>>, vector<16xf32>,
    %get3A_437 = arith.constant 0 : i32
    %get3A_438 = arith.index_cast %get3A_437 : i32 to index
    %get3A_439 = arith.constant 336 : index
    %get3A_440 = tpu.vector_load %arg10[%get3A_438, %get3A_439] {strides = array<i32>} : memref<1x512xf32, #tpu.memory_space<vmem>>, vector<1x16xf32>,
    %get3A_441 = vector.shape_cast %get3A_440 : vector<1x16xf32> to vector<16xf32>
    %mul3A_442 = arith.mulf %get3A_441, %get3A_441 : vector<16xf32>
    %mul3A_443 = arith.mulf %mul3A_442, %mul3A_442 : vector<16xf32>
    %swap3A_444 = arith.constant 336 : index
    %swap3A_445 = tpu.vector_load %arg11[%swap3A_444] {strides = array<i32>} : memref<512xf32, #tpu.memory_space<vmem>>, vector<16xf32>,
    %swap3A_446 = vector.shape_cast %swap3A_445 : vector<16xf32> to vector<16xf32>
    %swap3A_447 = vector.shape_cast %mul3A_443 : vector<16xf32> to vector<16xf32>
    tpu.vector_store %arg11[%swap3A_444], %swap3A_447 {strides = array<i32>} : memref<512xf32, #tpu.memory_space<vmem>>, vector<16xf32>,
    %get3A_448 = arith.constant 0 : i32
    %get3A_449 = arith.index_cast %get3A_448 : i32 to index
    %get3A_450 = arith.constant 352 : index
    %get3A_451 = tpu.vector_load %arg10[%get3A_449, %get3A_450] {strides = array<i32>} : memref<1x512xf32, #tpu.memory_space<vmem>>, vector<1x16xf32>,
    %get3A_452 = vector.shape_cast %get3A_451 : vector<1x16xf32> to vector<16xf32>
    %mul3A_453 = arith.mulf %get3A_452, %get3A_452 : vector<16xf32>
    %mul3A_454 = arith.mulf %mul3A_453, %mul3A_453 : vector<16xf32>
    %swap3A_455 = arith.constant 352 : index
    %swap3A_456 = tpu.vector_load %arg11[%swap3A_455] {strides = array<i32>} : memref<512xf32, #tpu.memory_space<vmem>>, vector<16xf32>,
    %swap3A_457 = vector.shape_cast %swap3A_456 : vector<16xf32> to vector<16xf32>
    %swap3A_458 = vector.shape_cast %mul3A_454 : vector<16xf32> to vector<16xf32>
    tpu.vector_store %arg11[%swap3A_455], %swap3A_458 {strides = array<i32>} : memref<512xf32, #tpu.memory_space<vmem>>, vector<16xf32>,
    %get3A_459 = arith.constant 0 : i32
    %get3A_460 = arith.index_cast %get3A_459 : i32 to index
    %get3A_461 = arith.constant 368 : index
    %get3A_462 = tpu.vector_load %arg10[%get3A_460, %get3A_461] {strides = array<i32>} : memref<1x512xf32, #tpu.memory_space<vmem>>, vector<1x16xf32>,
    %get3A_463 = vector.shape_cast %get3A_462 : vector<1x16xf32> to vector<16xf32>
    %mul3A_464 = arith.mulf %get3A_463, %get3A_463 : vector<16xf32>
    %mul3A_465 = arith.mulf %mul3A_464, %mul3A_464 : vector<16xf32>
    %swap3A_466 = arith.constant 368 : index
    %swap3A_467 = tpu.vector_load %arg11[%swap3A_466] {strides = array<i32>} : memref<512xf32, #tpu.memory_space<vmem>>, vector<16xf32>,
    %swap3A_468 = vector.shape_cast %swap3A_467 : vector<16xf32> to vector<16xf32>
    %swap3A_469 = vector.shape_cast %mul3A_465 : vector<16xf32> to vector<16xf32>
    tpu.vector_store %arg11[%swap3A_466], %swap3A_469 {strides = array<i32>} : memref<512xf32, #tpu.memory_space<vmem>>, vector<16xf32>,
    %get3A_470 = arith.constant 0 : i32
    %get3A_471 = arith.index_cast %get3A_470 : i32 to index
    %get3A_472 = arith.constant 384 : index
    %get3A_473 = tpu.vector_load %arg10[%get3A_471, %get3A_472] {strides = array<i32>} : memref<1x512xf32, #tpu.memory_space<vmem>>, vector<1x16xf32>,
    %get3A_474 = vector.shape_cast %get3A_473 : vector<1x16xf32> to vector<16xf32>
    %mul3A_475 = arith.mulf %get3A_474, %get3A_474 : vector<16xf32>
    %mul3A_476 = arith.mulf %mul3A_475, %mul3A_475 : vector<16xf32>
    %swap3A_477 = arith.constant 384 : index
    %swap3A_478 = tpu.vector_load %arg11[%swap3A_477] {strides = array<i32>} : memref<512xf32, #tpu.memory_space<vmem>>, vector<16xf32>,
    %swap3A_479 = vector.shape_cast %swap3A_478 : vector<16xf32> to vector<16xf32>
    %swap3A_480 = vector.shape_cast %mul3A_476 : vector<16xf32> to vector<16xf32>
    tpu.vector_store %arg11[%swap3A_477], %swap3A_480 {strides = array<i32>} : memref<512xf32, #tpu.memory_space<vmem>>, vector<16xf32>,
    %get3A_481 = arith.constant 0 : i32
    %get3A_482 = arith.index_cast %get3A_481 : i32 to index
    %get3A_483 = arith.constant 400 : index
    %get3A_484 = tpu.vector_load %arg10[%get3A_482, %get3A_483] {strides = array<i32>} : memref<1x512xf32, #tpu.memory_space<vmem>>, vector<1x16xf32>,
    %get3A_485 = vector.shape_cast %get3A_484 : vector<1x16xf32> to vector<16xf32>
    %mul3A_486 = arith.mulf %get3A_485, %get3A_485 : vector<16xf32>
    %mul3A_487 = arith.mulf %mul3A_486, %mul3A_486 : vector<16xf32>
    %swap3A_488 = arith.constant 400 : index
    %swap3A_489 = tpu.vector_load %arg11[%swap3A_488] {strides = array<i32>} : memref<512xf32, #tpu.memory_space<vmem>>, vector<16xf32>,
    %swap3A_490 = vector.shape_cast %swap3A_489 : vector<16xf32> to vector<16xf32>
    %swap3A_491 = vector.shape_cast %mul3A_487 : vector<16xf32> to vector<16xf32>
    tpu.vector_store %arg11[%swap3A_488], %swap3A_491 {strides = array<i32>} : memref<512xf32, #tpu.memory_space<vmem>>, vector<16xf32>,
    %get3A_492 = arith.constant 0 : i32
    %get3A_493 = arith.index_cast %get3A_492 : i32 to index
    %get3A_494 = arith.constant 416 : index
    %get3A_495 = tpu.vector_load %arg10[%get3A_493, %get3A_494] {strides = array<i32>} : memref<1x512xf32, #tpu.memory_space<vmem>>, vector<1x16xf32>,
    %get3A_496 = vector.shape_cast %get3A_495 : vector<1x16xf32> to vector<16xf32>
    %mul3A_497 = arith.mulf %get3A_496, %get3A_496 : vector<16xf32>
    %mul3A_498 = arith.mulf %mul3A_497, %mul3A_497 : vector<16xf32>
    %swap3A_499 = arith.constant 416 : index
    %swap3A_500 = tpu.vector_load %arg11[%swap3A_499] {strides = array<i32>} : memref<512xf32, #tpu.memory_space<vmem>>, vector<16xf32>,
    %swap3A_501 = vector.shape_cast %swap3A_500 : vector<16xf32> to vector<16xf32>
    %swap3A_502 = vector.shape_cast %mul3A_498 : vector<16xf32> to vector<16xf32>
    tpu.vector_store %arg11[%swap3A_499], %swap3A_502 {strides = array<i32>} : memref<512xf32, #tpu.memory_space<vmem>>, vector<16xf32>,
    %get3A_503 = arith.constant 0 : i32
    %get3A_504 = arith.index_cast %get3A_503 : i32 to index
    %get3A_505 = arith.constant 432 : index
    %get3A_506 = tpu.vector_load %arg10[%get3A_504, %get3A_505] {strides = array<i32>} : memref<1x512xf32, #tpu.memory_space<vmem>>, vector<1x16xf32>,
    %get3A_507 = vector.shape_cast %get3A_506 : vector<1x16xf32> to vector<16xf32>
    %mul3A_508 = arith.mulf %get3A_507, %get3A_507 : vector<16xf32>
    %mul3A_509 = arith.mulf %mul3A_508, %mul3A_508 : vector<16xf32>
    %swap3A_510 = arith.constant 432 : index
    %swap3A_511 = tpu.vector_load %arg11[%swap3A_510] {strides = array<i32>} : memref<512xf32, #tpu.memory_space<vmem>>, vector<16xf32>,
    %swap3A_512 = vector.shape_cast %swap3A_511 : vector<16xf32> to vector<16xf32>
    %swap3A_513 = vector.shape_cast %mul3A_509 : vector<16xf32> to vector<16xf32>
    tpu.vector_store %arg11[%swap3A_510], %swap3A_513 {strides = array<i32>} : memref<512xf32, #tpu.memory_space<vmem>>, vector<16xf32>,
    %get3A_514 = arith.constant 0 : i32
    %get3A_515 = arith.index_cast %get3A_514 : i32 to index
    %get3A_516 = arith.constant 448 : index
    %get3A_517 = tpu.vector_load %arg10[%get3A_515, %get3A_516] {strides = array<i32>} : memref<1x512xf32, #tpu.memory_space<vmem>>, vector<1x16xf32>,
    %get3A_518 = vector.shape_cast %get3A_517 : vector<1x16xf32> to vector<16xf32>
    %mul3A_519 = arith.mulf %get3A_518, %get3A_518 : vector<16xf32>
    %mul3A_520 = arith.mulf %mul3A_519, %mul3A_519 : vector<16xf32>
    %swap3A_521 = arith.constant 448 : index
    %swap3A_522 = tpu.vector_load %arg11[%swap3A_521] {strides = array<i32>} : memref<512xf32, #tpu.memory_space<vmem>>, vector<16xf32>,
    %swap3A_523 = vector.shape_cast %swap3A_522 : vector<16xf32> to vector<16xf32>
    %swap3A_524 = vector.shape_cast %mul3A_520 : vector<16xf32> to vector<16xf32>
    tpu.vector_store %arg11[%swap3A_521], %swap3A_524 {strides = array<i32>} : memref<512xf32, #tpu.memory_space<vmem>>, vector<16xf32>,
    %get3A_525 = arith.constant 0 : i32
    %get3A_526 = arith.index_cast %get3A_525 : i32 to index
    %get3A_527 = arith.constant 464 : index
    %get3A_528 = tpu.vector_load %arg10[%get3A_526, %get3A_527] {strides = array<i32>} : memref<1x512xf32, #tpu.memory_space<vmem>>, vector<1x16xf32>,
    %get3A_529 = vector.shape_cast %get3A_528 : vector<1x16xf32> to vector<16xf32>
    %mul3A_530 = arith.mulf %get3A_529, %get3A_529 : vector<16xf32>
    %mul3A_531 = arith.mulf %mul3A_530, %mul3A_530 : vector<16xf32>
    %swap3A_532 = arith.constant 464 : index
    %swap3A_533 = tpu.vector_load %arg11[%swap3A_532] {strides = array<i32>} : memref<512xf32, #tpu.memory_space<vmem>>, vector<16xf32>,
    %swap3A_534 = vector.shape_cast %swap3A_533 : vector<16xf32> to vector<16xf32>
    %swap3A_535 = vector.shape_cast %mul3A_531 : vector<16xf32> to vector<16xf32>
    tpu.vector_store %arg11[%swap3A_532], %swap3A_535 {strides = array<i32>} : memref<512xf32, #tpu.memory_space<vmem>>, vector<16xf32>,
    %get3A_536 = arith.constant 0 : i32
    %get3A_537 = arith.index_cast %get3A_536 : i32 to index
    %get3A_538 = arith.constant 480 : index
    %get3A_539 = tpu.vector_load %arg10[%get3A_537, %get3A_538] {strides = array<i32>} : memref<1x512xf32, #tpu.memory_space<vmem>>, vector<1x16xf32>,
    %get3A_540 = vector.shape_cast %get3A_539 : vector<1x16xf32> to vector<16xf32>
    %mul3A_541 = arith.mulf %get3A_540, %get3A_540 : vector<16xf32>
    %mul3A_542 = arith.mulf %mul3A_541, %mul3A_541 : vector<16xf32>
    %swap3A_543 = arith.constant 480 : index
    %swap3A_544 = tpu.vector_load %arg11[%swap3A_543] {strides = array<i32>} : memref<512xf32, #tpu.memory_space<vmem>>, vector<16xf32>,
    %swap3A_545 = vector.shape_cast %swap3A_544 : vector<16xf32> to vector<16xf32>
    %swap3A_546 = vector.shape_cast %mul3A_542 : vector<16xf32> to vector<16xf32>
    tpu.vector_store %arg11[%swap3A_543], %swap3A_546 {strides = array<i32>} : memref<512xf32, #tpu.memory_space<vmem>>, vector<16xf32>,
    %get3A_547 = arith.constant 0 : i32
    %get3A_548 = arith.index_cast %get3A_547 : i32 to index
    %get3A_549 = arith.constant 496 : index
    %get3A_550 = tpu.vector_load %arg10[%get3A_548, %get3A_549] {strides = array<i32>} : memref<1x512xf32, #tpu.memory_space<vmem>>, vector<1x16xf32>,
    %get3A_551 = vector.shape_cast %get3A_550 : vector<1x16xf32> to vector<16xf32>
    %mul3A_552 = arith.mulf %get3A_551, %get3A_551 : vector<16xf32>
    %mul3A_553 = arith.mulf %mul3A_552, %mul3A_552 : vector<16xf32>
    %swap3A_554 = arith.constant 496 : index
    %swap3A_555 = tpu.vector_load %arg11[%swap3A_554] {strides = array<i32>} : memref<512xf32, #tpu.memory_space<vmem>>, vector<16xf32>,
    %swap3A_556 = vector.shape_cast %swap3A_555 : vector<16xf32> to vector<16xf32>
    %swap3A_557 = vector.shape_cast %mul3A_553 : vector<16xf32> to vector<16xf32>
    tpu.vector_store %arg11[%swap3A_554], %swap3A_557 {strides = array<i32>} : memref<512xf32, #tpu.memory_space<vmem>>, vector<16xf32>,
    %mul3A_558 = arith.constant 2048 : i32
    %mul3A_559 = arith.muli %add3A, %mul3A_558 : i32
    %mul3A_560 = arith.constant 512 : i32
    %mul3A_561 = arith.muli %select_n3A_54, %mul3A_560 : i32
    %add3A_562 = arith.addi %mul3A_559, %mul3A_561 : i32
    %add3A_563 = arith.constant 256 : i32
    %add3A_564 = arith.addi %add3A_562, %add3A_563 : i32
    %dma_start3A_565 = arith.constant 256 : i32
    %dma_start3A_566 = tpu.memref_slice %arg11[%dma_start3A_565] : memref<512xf32, #tpu.memory_space<vmem>> -> memref<256xf32, #tpu.memory_space<vmem>>
    %dma_start3A_567 = tpu.memref_slice %arg4[%add3A_564] : memref<8192xf32, #tpu.memory_space<hbm>> -> memref<256xf32, #tpu.memory_space<hbm>>
    %dma_start3A_568 = tpu.memref_slice %arg4[%add3A_564] : memref<8192xf32, #tpu.memory_space<hbm>> -> memref<256xf32, #tpu.memory_space<hbm>>
    %dma_start3A_569 = arith.constant 256 : i32
    %dma_start3A_570 = tpu.memref_slice %arg11[%dma_start3A_569] : memref<512xf32, #tpu.memory_space<vmem>> -> memref<256xf32, #tpu.memory_space<vmem>>
    tpu.enqueue_dma source(%dma_start3A_570 : memref<256xf32, #tpu.memory_space<vmem>>) target(%dma_start3A_568 : memref<256xf32, #tpu.memory_space<hbm>>) target_semaphore(%arg12 : memref<!tpu.dma_semaphore, #tpu.memory_space<semaphore_mem>>)
    %dma_wait3A_571 = arith.constant 0 : i32
    %dma_wait3A_572 = tpu.memref_slice %arg11[%dma_wait3A_571] : memref<512xf32, #tpu.memory_space<vmem>> -> memref<256xf32, #tpu.memory_space<vmem>>
    %dma_wait3A_573 = tpu.memref_slice %arg4[%add3A_375] : memref<8192xf32, #tpu.memory_space<hbm>> -> memref<256xf32, #tpu.memory_space<hbm>>
    %dma_wait3A_574 = tpu.memref_slice %arg4[%add3A_375] : memref<8192xf32, #tpu.memory_space<hbm>> -> memref<256xf32, #tpu.memory_space<hbm>>
    %dma_wait3A_575 = arith.constant 0 : i32
    %dma_wait3A_576 = tpu.memref_slice %arg11[%dma_wait3A_575] : memref<512xf32, #tpu.memory_space<vmem>> -> memref<256xf32, #tpu.memory_space<vmem>>
    tpu.wait_dma2 semaphore(%arg14 : memref<!tpu.dma_semaphore, #tpu.memory_space<semaphore_mem>>) src(%dma_wait3A_576 : memref<256xf32, #tpu.memory_space<vmem>>) dst(%dma_wait3A_574 : memref<256xf32, #tpu.memory_space<hbm>>)
    %dma_wait3A_577 = arith.constant 256 : i32
    %dma_wait3A_578 = tpu.memref_slice %arg11[%dma_wait3A_577] : memref<512xf32, #tpu.memory_space<vmem>> -> memref<256xf32, #tpu.memory_space<vmem>>
    %dma_wait3A_579 = tpu.memref_slice %arg4[%add3A_564] : memref<8192xf32, #tpu.memory_space<hbm>> -> memref<256xf32, #tpu.memory_space<hbm>>
    %dma_wait3A_580 = tpu.memref_slice %arg4[%add3A_564] : memref<8192xf32, #tpu.memory_space<hbm>> -> memref<256xf32, #tpu.memory_space<hbm>>
    %dma_wait3A_581 = arith.constant 256 : i32
    %dma_wait3A_582 = tpu.memref_slice %arg11[%dma_wait3A_581] : memref<512xf32, #tpu.memory_space<vmem>> -> memref<256xf32, #tpu.memory_space<vmem>>
    tpu.wait_dma2 semaphore(%arg12 : memref<!tpu.dma_semaphore, #tpu.memory_space<semaphore_mem>>) src(%dma_wait3A_582 : memref<256xf32, #tpu.memory_space<vmem>>) dst(%dma_wait3A_580 : memref<256xf32, #tpu.memory_space<hbm>>)
    return
  }
}

</mosaic_0001>

<sc_bundles>
// kernel: kernel.3.cloned.1.call-start
scs
__scs_entry_jumppad:
0x0: {  	(pc) =	sbr.rel $0x88, $3  }
0x1: {  	(tag) =	ssettag $0x0;
	lr =	simm.s32 $0x1  }
0x2: {  	[smem:$0x3F9F] =	sst lr;
	_ =	strace $0xD0000000  }
0x3: {  	_ = 	snop  }
0x4: {  	_ = 	snop  }
0x5: {  	_ = 	snop  }
0x6: {  	_ = 	snop  }
0x7: {  	_ = 	snop  }
__scs_overlays_trampoline_lowered:
0x8: {  	[smem:$0x3FAE] =	sst s0  }
0x9: {  	[smem:$0x3FAF] =	sst s1  }
0xa: {  	[smem:$0x3FB0] =	sst s2  }
0xb: {  	[smem:$0x3FB1] =	sst s3  }
0xc: {  	[smem:$0x3FB2] =	sst s4  }
0xd: {  	[smem:$0x3FB3] =	sst s5  }
0xe: {  	[smem:$0x3FB4] =	sst s6  }
0xf: {  	[smem:$0x3FB5] =	sst s7  }
0x10: {  	[smem:$0x3FB6] =	sst s8  }
0x11: {  	[smem:$0x3FB7] =	sst s9;
	s0 =	simm.s32 @!p0 $0x0  }
0x12: {  	s1 =	sld [smem:$0x3F9D];
	s0 =	simm.s32 @p0 $0x1  }
0x13: {  	[smem:$0x3FB8] =	sst s0;
	s0 =	simm.s32 @!p1 $0x0  }
0x14: {  	s2 =	sld [smem:$0x3F9C];
	s0 =	simm.s32 @p1 $0x1  }
0x15: {  	[smem:$0x3FB9] =	sst s0;
	s0 =	simm.s32 @!p2 $0x0  }
0x16: {  	s3 =	sld [smem:$0x3FDB];
	s0 =	simm.s32 @p2 $0x1  }
0x17: {  	s4 =	simm.s32 $0x1BF5;
	[smem:$0x3FBB] =	sst s0  }
0x18: {  	s0 =	sld [smem:$0x3F9E];
	_ =	swait.ge [sflag:s4], $0x0  }
0x19: {  	s7 =	sld [smem:$0x3F9F]  }
0x1a: {  	s8 =	sadd.s32 $0xFFFFE003, lr  }
0x1b: {  	s9 =	sadd.s32 $0xFFFFFEF7, lr;
	s5 =	simm.s32 $0xFFFFFFFF;
	p2 =	slt.u32 s8, $0xFFFFF086  }
0x1c: {  	p1 =	slt.u32 s9, $0xF7A;
	s5 =	simm.s32 @!p2 $0x0  }
0x1d: {  	s5 =	simm.s32 @p1 $0x1;
	p0 =	seq.s32 s7, s2  }
0x1e: {  	s7 =	smul.u32 @!p0 $0xF7A, s2;
	p2 =	seq.s32 @!p0 s5, $0x0  }
0x1f: {  	s9 =	smul.u32 $0xF7A, s1;
	s8 =	simm.s32 @!p0 $0x1BF5;
	p2 =	por !p2, p0  }
0x20: {  	[sflag:s8] =	ssyncset.s32 @!p0 $0xFFFFF086;
	s6 =	sadd.s32 @!p0 s3, s7;
	s7 =	simm.s32 @!p0 $0x108  }
0x21: {  	s3 =	sadd.s32 s3, s9;
	s6 =	sadd.s32 @!p0 $0x88, s6;
	s7 =	simm.s32 @p2 $0x1082  }
0x22: {  	[simem:s7], [sflag:s8] =	dma.local @!p0 [hbm:s6], $0xF7A  }
0x23: {  	s9 =	sor.u32 $0xD0000000, s2;
	s6 =	simm.s32 $0x108;
	_ =	swait.ge @!p0 [sflag:s8], $0x0  }
0x24: {  	s3 =	sadd.s32 $0x88, s3;
	s6 =	simm.s32 @!p1 $0x1082;
	[sflag:s4] =	ssyncset.s32 $0xFFFFF086  }
0x25: {  	[simem:s6], [sflag:s4] =	dma.local [hbm:s3], $0xF7A  }
0x26: {  	[smem:$0x3F9F] =	sst s1;
	(tag) =	ssettag s2;
	_ =	strace s9  }
0x27: {  	s1 =	sld [smem:$0x3FAF]  }
0x28: {  	s2 =	sld [smem:$0x3FB0]  }
0x29: {  	s4 =	sld [smem:$0x3FB2]  }
0x2a: {  	p0 =	seq.s32 s5, $0x0;
	s5 =	sld [smem:$0x3FB3]  }
0x2b: {  	s6 =	sld [smem:$0x3FB4]  }
0x2c: {  	s7 =	sld [smem:$0x3FB5]  }
0x2d: {  	s3 =	simm.s32 $0x108;
	s8 =	sld [smem:$0x3FB6]  }
0x2e: {  	s3 =	simm.s32 @!p0 $0x1082;
	s9 =	sld [smem:$0x3FB7]  }
0x2f: {  	lr =	sadd.s32 s0, s3;
	s0 =	sld [smem:$0x3FAE]  }
0x30: {  	s3 =	sld [smem:$0x3FB1]  }
0x31: {  	[smem:$0x3FBA] =	sst s10  }
0x32: {  	s10 =	sld [smem:$0x3FB8];
	_ =	sdelay $0x3  }
0x33: {  	p0 =	seq.s32 s10, $0x1;
	s10 =	sld [smem:$0x3FBA];
	_ =	sdelay $0x3  }
0x34: {  	[smem:$0x3FBA] =	sst s10  }
0x35: {  	s10 =	sld [smem:$0x3FB9];
	_ =	sdelay $0x3  }
0x36: {  	p1 =	seq.s32 s10, $0x1;
	s10 =	sld [smem:$0x3FBA];
	_ =	sdelay $0x3  }
0x37: {  	[smem:$0x3FBA] =	sst s10  }
0x38: {  	s10 =	sld [smem:$0x3FBB]  }
0x39: {  	_ = 	snop;
	(pc) =	sbr.ind lr, $3  }
0x3a: {  	_ = 	snop  }
0x3b: {  	_ = 	snop  }
0x3c: {  	p2 =	seq.s32 s10, $0x1;
	s10 =	sld [smem:$0x3FBA]  }
0x3d: {  	_ =	shalt  }
0x3e: {  	_ =	shalt  }
0x3f: {  	_ =	shalt  }
0x40: {  	_ =	shalt  }
0x41: {  	_ =	shalt  }
0x42: {  	_ =	shalt  }
0x43: {  	_ =	shalt  }
0x44: {  	_ =	shalt  }
0x45: {  	_ =	shalt  }
0x46: {  	_ =	shalt  }
0x47: {  	_ =	shalt  }
0x48: {  	_ =	shalt  }
0x49: {  	_ =	shalt  }
0x4a: {  	_ =	shalt  }
0x4b: {  	_ =	shalt  }
0x4c: {  	_ =	shalt  }
0x4d: {  	_ =	shalt  }
0x4e: {  	_ =	shalt  }
0x4f: {  	_ =	shalt  }
0x50: {  	_ =	shalt  }
0x51: {  	_ =	shalt  }
0x52: {  	_ =	shalt  }
0x53: {  	_ =	shalt  }
0x54: {  	_ =	shalt  }
0x55: {  	_ =	shalt  }
0x56: {  	_ =	shalt  }
0x57: {  	_ =	shalt  }
0x58: {  	_ =	shalt  }
0x59: {  	_ =	shalt  }
0x5a: {  	_ =	shalt  }
0x5b: {  	_ =	shalt  }
0x5c: {  	_ =	shalt  }
0x5d: {  	_ =	shalt  }
0x5e: {  	_ =	shalt  }
0x5f: {  	_ =	shalt  }
0x60: {  	_ =	shalt  }
0x61: {  	_ =	shalt  }
0x62: {  	_ =	shalt  }
0x63: {  	_ =	shalt  }
0x64: {  	_ =	shalt  }
0x65: {  	_ =	shalt  }
0x66: {  	_ =	shalt  }
0x67: {  	_ =	shalt  }
0x68: {  	_ =	shalt  }
0x69: {  	_ =	shalt  }
0x6a: {  	_ =	shalt  }
0x6b: {  	_ =	shalt  }
0x6c: {  	_ =	shalt  }
0x6d: {  	_ =	shalt  }
0x6e: {  	_ =	shalt  }
0x6f: {  	_ =	shalt  }
0x70: {  	_ =	shalt  }
0x71: {  	_ =	shalt  }
0x72: {  	_ =	shalt  }
0x73: {  	_ =	shalt  }
0x74: {  	_ =	shalt  }
0x75: {  	_ =	shalt  }
0x76: {  	_ =	shalt  }
0x77: {  	_ =	shalt  }
0x78: {  	_ =	shalt  }
0x79: {  	_ =	shalt  }
0x7a: {  	_ =	shalt  }
0x7b: {  	_ =	shalt  }
0x7c: {  	_ =	shalt  }
0x7d: {  	_ =	shalt  }
0x7e: {  	_ =	shalt  }
0x7f: {  	_ =	shalt  }
0x80: {  	_ =	shalt  }
0x81: {  	_ =	shalt  }
0x82: {  	_ =	shalt  }
0x83: {  	_ =	shalt  }
0x84: {  	_ =	shalt  }
0x85: {  	_ =	shalt  }
0x86: {  	_ =	shalt  }
0x87: {  	_ =	shalt  }
.Lfunc_end0:
.L_simem_size_0:
called_computation_lowered:
.L_overlay_start_0:
0x88: {  	s0 =	sld [smem:$0x3FD9]  }
0x89: {  	s1 =	sld [smem:$0x3FFE];
	_ =	sdelay $0x3  }
0x8a: {  	s0 =	sadd.s32 s1, s0  }
0x8b: {  	[smem:$0x3FC6] =	sst s0  }
0x8c: {  	_ = 	snop  }
0x8d: {  	s0 =	sld [smem:$0x3FC9];
	(tm) =	ssettm $0x1  }
0x8e: {  	s16 =	sld [smem:$0x3FFB];
	_ =	sdelay $0x3  }
0x8f: {  	_ =	strace s16  }
0x90: {  	s1 =	sld [smem:$0x3FFC];
	_ =	sdelay $0x3  }
0x91: {  	_ =	strace s1  }
0x92: {  	s1 =	sld [smem:$0x3FFD];
	_ =	sdelay $0x3  }
0x93: {  	_ =	strace s1  }
0x94: {  	_ =	strace $0x8FFFFFFF  }
0x95: {  	s17 =	sld [smem:$0x3FDB];
	_ =	sdelay $0x1  }
0x96: {  	s2 =	simm.s32 $_scs_section_size  }
0x97: {  	s3 =	simm.s32 $_size__tile_overlayer_lowered;
	s4 =	simm.s32 $_tile_overlayer_lowered  }
0x98: {  	s20 =	simm.s32 $0x1BFF;
	s19 =	sshll.u32 s4, $0x1;
	s1 =	sadd.s32 s2, s17  }
0x99: {  	s5 =	simm.s32 $0x0;
	s18 =	sshll.u32 s3, $0x1;
	s3 =	sadd.s32 s19, s1  }
0x9a: {  	[timem:s5], [sflag:s20] =	dma.local [hbm:s3], s18  }
0x9b: {  	_ =	swait.ge [sflag:s20], s18  }
0x9c: {  	s2 =	ssub.s32 $0x0, s18;
	[sflag:s20] =	ssyncset.done $0x0  }
0x9d: {  	[sflag:s20] =	ssyncadd.s32 s2;
	_ =	sdelay $0x1  }
0x9e: {  	s21 =	simm.s32 $0x1B8B  }
0x9f: {  	_ =	swait.ge [sflag:s21], $0x1  }
0xa0: {  	[sflag:s21] =	ssyncset.done $0x0  }
0xa1: {  	s23 =	simm.s32 $0x1B8E;
	s22 =	sld [smem:$0x3FFE];
	[sflag:s21] =	ssyncadd.s32 $0xFFFFFFFF  }
0xa2: {  	s24 =	simm.s32 $execute0_lowered;
	[smem:$0x3FD2] =	sst s23  }
0xa3: {  	s3 =	sshll.u32 s24, $0x1;
	_ =	strace $0x80000046;
	[dreg:$0x1] =	wrdreg $0xFFFFFFFF  }
0xa4: {  	s25 =	simm.s32 $_size_execute0_lowered;
	s1 =	sadd.s32 s1, s3;
	[dreg:$0x0] =	wrdreg $0x0  }
0xa5: {  	s3 =	sshll.u32 s25, $0x1;
	[dreg:$0x2] =	wrdreg s1  }
0xa6: {  	[dreg:$0x3] =	wrdreg s3  }
0xa7: {  	[dreg:$0x4] =	wrdreg $0xC0  }
0xa8: {  	_ =	task [dreg:s5], $0x5FFFF  }
0xa9: {  	[dreg:$0x1] =	wrdreg $0xFFFFFFFF  }
0xaa: {  	[dreg:$0x0] =	wrdreg $0x60  }
0xab: {  	[dreg:$0x2] =	wrdreg s0  }
0xac: {  	[dreg:$0x3] =	wrdreg s22  }
0xad: {  	[dreg:$0x4] =	wrdreg $0x8800  }
0xae: {  	[dreg:$0x5] =	wrdreg $0x9  }
0xaf: {  	_ =	task.clear_ibuf [dreg:s5], $0x6FFFF;
	_ =	strace $0x90000046  }
0xb0: {  	s26 =	simm.s32 $0x9;
	_ =	strace $0x80000048  }
0xb1: {  	_ =	swait.ge [sflag:s26], $0x1  }
0xb2: {  	[sflag:s26] =	ssyncadd.s32 $0xFFFFFFFF  }
0xb3: {  	_ =	strace $0x90000048  }
0xb4: {  	_ =	sfence  }
0xb5: {  	s28 =	sld [smem:$0x0];
	_ =	sdelay $0x1  }
0xb6: {  	s29 =	srdreg.scid  }
0xb7: {  	s30 =	sshll.u32 s29, $0xD;
	s31 =	sshrl.u32 s29, $0x2  }
0xb8: {  	s2 =	sand.u32 $0x4000, s30;
	s1 =	sand.u32 $0x1, s29;
	s0 =	sadd.s32 s31, s28  }
0xb9: {  	s1 =	sor.u32 s2, s1;
	s0 =	sshll.u32 s0, $0x11  }
0xba: {  	s0 =	sor.u32 s0, s1  }
0xbb: {  	s0 =	sadd.s32 $0x8F2B, s0  }
0xbc: {  	[sflag:s0] =	ssyncadd.remote.s32 $0x1  }
0xbd: {  	_ =	sfence.sel $0xFFFF  }
0xbe: {  	[dreg:$0x0] =	wrdreg $0xFFFFFFFF;
	(pc) =	sbr.abs _section_cstart, $3  }
0xbf: {  	[dreg:$0x1] =	wrdreg $0xFFFFFFFF  }
0xc0: {  	_ =	task.clear_ibuf [dreg:s5], $0x2FFFF;
	_ =	strace $0x9FFFFFFF  }
0xc1: {  	(tm) =	ssettm $0x7FFFFFFF  }
tec
execute0_lowered:
.L_overlay_start_1:
0x0: {  	(tag) =	ssettag $0x1  }
0x1: {  	s0 =	stileid.u32  }
0x2: {  	s2 =	sshrl.u32 s0, $0x2;
	s5 =	sand.u32 $0x3, s0  }
0x3: {  	s4 =	rddreg [dreg:$0x0];
	s8 =	sshll.u32 s5, $0xB;
	s6 =	sshll.u32 s2, $0xD  }
0x4: {  	s3 =	rddreg [dreg:$0x1];
	s9 =	sor.u32 s8, s6  }
0x5: {  	s7 =	rddreg [dreg:$0x2];
	s10 =	simm.s32 $0x0;
	s9 =	sshrl.u32 s9, $0x3  }
0x6: {  	[smem:$0x7FF] =	sst s10;
	s9 =	sadd.s32 s9, s3  }
0x7: {  	s1 =	rddreg [dreg:$0x3];
	_ =	strace $0x80000047;
	s11 =	sadd.s32 $0x400, s9  }
0x8: {  	[tilespmem:s10], [sflag:$0x1] =	stream.linear.gather [hbm4b:s11+s10], $0x400, $0x38;
	[tilespmem:$0xD90] =	vst v63  }
0x9: {  	s29 =	simm.s32 $0x400;
	s30 =	simm.s32 $0x1;
	s9 =	sadd.s32 $0x480, s9  }
0xa: {  	[tilespmem:s29], [sflag:$0x2] =	stream.linear.gather [hbm4b:s9+s10], $0x400, $0x38;
	[tilespmem:$0xD90] =	vst v63  }
0xb: {  	_ =	swait.ge [sflag:s30], $0x400  }
0xc: {  	[sflag:s30] =	ssyncset.done $0x0  }
0xd: {  	s31 =	simm.s32 $0x40;
	[sflag:s30] =	ssyncadd.s32 $0xFFFFFC00  }
0xe: {  	v1 =	vld [tilespmem:s31+$0xFFFFFFC0]  }
0xf: {  	v2 =	vld [tilespmem:s31+$0xFFFFFFD0]  }
0x10: {  	v0 =	vlaneseq.u32  }
0x11: {  	v0 =	vmul.u32 $0xFFFFFFFF, v0;
	v3 =	vld [tilespmem:s31+$0xFFFFFFE0]  }
0x12: {  	s8 =	sxor.u32 $0x1FFF, s8  }
0x13: {  	v0 =	vadd.s32 s8, v0;
	v1 =	vshll.u32 v1, $0xD  }
0x14: {  	v5 =	vimm.s32 $0x80000000;
	v4 =	vld [tilespmem:s31+$0xFFFFFFF0];
	v2 =	vshll.u32 v2, $0xD;
	v1 =	vadd.s32 v0, v1  }
0x15: {  	v6 =	vld [tilespmem:s31+$0x0];
	v2 =	vadd.s32 v2, v0;
	vm0 =	vgt.s32 v5, v1  }
0x16: {  	v3 =	vshll.u32 v3, $0xD;
	v2 =	vadd.s32 $0xFFFFFFF0, v2;
	v1 =	vsel vm0, v5, v1  }
0x17: {  	v3 =	vadd.s32 v3, v0;
	vm0 =	vgt.s32 v1, v2  }
0x18: {  	v1 =	vsel vm0, v1, v2;
	v2 =	vadd.s32 $0xFFFFFFE0, v3  }
0x19: {  	v5 =	vld [tilespmem:s31+$0x10];
	v3 =	vshll.u32 v4, $0xD;
	vm0 =	vgt.s32 v1, v2  }
0x1a: {  	v3 =	vadd.s32 v3, v0;
	v1 =	vsel vm0, v1, v2;
	v2 =	vshll.u32 v6, $0xD  }
0x1b: {  	v3 =	vadd.s32 $0xFFFFFFD0, v3;
	v4 =	vadd.s32 v2, v0;
	v2 =	vld [tilespmem:s31+$0x20]  }
0x1c: {  	vm0 =	vgt.s32 v1, v3  }
0x1d: {  	v3 =	vsel vm0, v1, v3;
	v1 =	vld [tilespmem:s31+$0x30]  }
0x1e: {  	v5 =	vshll.u32 v5, $0xD;
	v4 =	vadd.s32 $0xFFFFFFC0, v4  }
0x1f: {  	s8 =	simm.s32 $0x0;
	s3 =	sadd.s32 $0x1400, s3;
	s9 =	simm.s32 $0xC0;
	v5 =	vadd.s32 v5, v0;
	vm0 =	vgt.s32 v3, v4  }
.LBB2_1:
0x20: {  	v6 =	vld [tilespmem:s9+$0xFFFFFFC0];
	s8 =	sadd.s32 $0x8, s8;
	v3 =	vsel vm0, v3, v4;
	v4 =	vadd.s32 $0xFFFFFFB0, v5;
	v2 =	vshll.u32 v2, $0xD  }
0x21: {  	v5 =	vld [tilespmem:s9+$0xFFFFFFD0];
	p0 =	slt.u32 s8, $0x38;
	vm0 =	vgt.s32 v3, v4;
	v2 =	vadd.s32 v2, v0  }
0x22: {  	v3 =	vsel vm0, v3, v4;
	v2 =	vadd.s32 $0xFFFFFFA0, v2;
	v1 =	vshll.u32 v1, $0xD  }
0x23: {  	v4 =	vld [tilespmem:s9+$0xFFFFFFE0];
	vm0 =	vgt.s32 v3, v2;
	v1 =	vadd.s32 v1, v0  }
0x24: {  	v2 =	vsel vm0, v3, v2;
	v1 =	vadd.s32 $0xFFFFFF90, v1  }
0x25: {  	v0 =	vadd.s32 $0xFFFFFF80, v0;
	v3 =	vshll.u32 v6, $0xD;
	v6 =	vld [tilespmem:s9+$0xFFFFFFF0];
	vm0 =	vgt.s32 v2, v1  }
0x26: {  	v3 =	vadd.s32 v0, v3;
	v5 =	vshll.u32 v5, $0xD;
	v1 =	vsel vm0, v2, v1  }
0x27: {  	vm0 =	vgt.s32 v1, v3;
	v2 =	vadd.s32 v5, v0;
	v5 =	vld [tilespmem:s9+$0x0]  }
0x28: {  	v1 =	vsel vm0, v1, v3;
	v2 =	vadd.s32 $0xFFFFFFF0, v2;
	v3 =	vshll.u32 v4, $0xD  }
0x29: {  	vm0 =	vgt.s32 v1, v2;
	v3 =	vadd.s32 v3, v0;
	v7 =	vld [tilespmem:s9+$0x10]  }
0x2a: {  	v1 =	vsel vm0, v1, v2;
	v3 =	vadd.s32 $0xFFFFFFE0, v3;
	v2 =	vshll.u32 v6, $0xD  }
.Ltmp0:
0x2b: {  	vm0 =	vgt.s32 v1, v3;
	v4 =	vadd.s32 v2, v0;
	v2 =	vld [tilespmem:s9+$0x20];
	(pc) =	sbr.rel @p0 .LBB2_1-.Ltmp0, $4  }
0x2c: {  	v3 =	vsel vm0, v1, v3;
	v4 =	vadd.s32 $0xFFFFFFD0, v4;
	v1 =	vshll.u32 v5, $0xD  }
0x2d: {  	vm0 =	vgt.s32 v3, v4;
	v5 =	vadd.s32 v1, v0;
	v1 =	vld [tilespmem:s9+$0x30]  }
0x2e: {  	v3 =	vsel vm0, v3, v4;
	v4 =	vadd.s32 $0xFFFFFFC0, v5;
	v5 =	vshll.u32 v7, $0xD  }
0x2f: {  	s9 =	sadd.s32 $0x80, s9;
	vm0 =	vgt.s32 v3, v4;
	v5 =	vadd.s32 v5, v0  }
0x30: {  	s8 =	simm.s32 $0x2  }
0x31: {  	_ =	swait.ge [sflag:s8], $0x400  }
0x32: {  	[sflag:s8] =	ssyncset.done $0x0  }
0x33: {  	s9 =	simm.s32 $0x470;
	[sflag:s8] =	ssyncadd.s32 $0xFFFFFC00  }
0x34: {  	v3 =	vsel vm0, v3, v4;
	v4 =	vadd.s32 $0xFFFFFFB0, v5;
	v2 =	vshll.u32 v2, $0xD;
	v5 =	vld [tilespmem:s9+$0xFFFFFF90]  }
0x35: {  	vm0 =	vgt.s32 v3, v4;
	v2 =	vadd.s32 v2, v0;
	v6 =	vld [tilespmem:s9+$0xFFFFFFA0]  }
0x36: {  	v3 =	vsel vm0, v3, v4;
	v2 =	vadd.s32 $0xFFFFFFA0, v2;
	v1 =	vshll.u32 v1, $0xD  }
0x37: {  	vm0 =	vgt.s32 v3, v2;
	v1 =	vadd.s32 v1, v0;
	v4 =	vld [tilespmem:s9+$0xFFFFFFB0]  }
0x38: {  	v2 =	vsel vm0, v3, v2;
	v1 =	vadd.s32 $0xFFFFFF90, v1  }
0x39: {  	v0 =	vadd.s32 $0xFFFFFF80, v0;
	vm0 =	vgt.s32 v2, v1;
	v3 =	vshll.u32 v5, $0xD  }
0x3a: {  	v1 =	vsel vm0, v2, v1;
	v5 =	vld [tilespmem:s9+$0xFFFFFFC0];
	v2 =	vadd.s32 v0, v3;
	v3 =	vshll.u32 v6, $0xD  }
0x3b: {  	v6 =	vld [tilespmem:s9+$0xFFFFFFD0];
	vm0 =	vgt.s32 v1, v2;
	v3 =	vadd.s32 v3, v0  }
0x3c: {  	v1 =	vsel vm0, v1, v2;
	v2 =	vadd.s32 $0xFFFFFFF0, v3;
	v3 =	vshll.u32 v4, $0xD  }
0x3d: {  	vm0 =	vgt.s32 v1, v2;
	v3 =	vadd.s32 v3, v0  }
0x3e: {  	v1 =	vsel vm0, v1, v2;
	v2 =	vadd.s32 $0xFFFFFFE0, v3  }
0x3f: {  	v7 =	vld [tilespmem:s9+$0xFFFFFFE0];
	v3 =	vshll.u32 v5, $0xD;
	vm0 =	vgt.s32 v1, v2  }
0x40: {  	v3 =	vadd.s32 v3, v0;
	v1 =	vsel vm0, v1, v2;
	v2 =	vshll.u32 v6, $0xD  }
0x41: {  	v3 =	vadd.s32 $0xFFFFFFD0, v3;
	v4 =	vadd.s32 v2, v0;
	v2 =	vld [tilespmem:s9+$0xFFFFFFF0]  }
0x42: {  	vm0 =	vgt.s32 v1, v3  }
0x43: {  	v3 =	vsel vm0, v1, v3;
	v1 =	vld [tilespmem:s9+$0x0]  }
0x44: {  	v5 =	vshll.u32 v7, $0xD;
	v4 =	vadd.s32 $0xFFFFFFC0, v4  }
0x45: {  	s8 =	simm.s32 $0x40;
	v5 =	vadd.s32 v5, v0;
	s9 =	simm.s32 $0x4F0;
	vm0 =	vgt.s32 v3, v4  }
.LBB2_3:
0x46: {  	v6 =	vld [tilespmem:s9+$0xFFFFFF90];
	s8 =	sadd.s32 $0x8, s8;
	v3 =	vsel vm0, v3, v4;
	v4 =	vadd.s32 $0xFFFFFFB0, v5;
	v2 =	vshll.u32 v2, $0xD  }
0x47: {  	v5 =	vld [tilespmem:s9+$0xFFFFFFA0];
	p0 =	slt.u32 s8, $0x78;
	vm0 =	vgt.s32 v3, v4;
	v2 =	vadd.s32 v2, v0  }
0x48: {  	v3 =	vsel vm0, v3, v4;
	v2 =	vadd.s32 $0xFFFFFFA0, v2;
	v1 =	vshll.u32 v1, $0xD  }
0x49: {  	v4 =	vld [tilespmem:s9+$0xFFFFFFB0];
	vm0 =	vgt.s32 v3, v2;
	v1 =	vadd.s32 v1, v0  }
0x4a: {  	v2 =	vsel vm0, v3, v2;
	v1 =	vadd.s32 $0xFFFFFF90, v1  }
0x4b: {  	v0 =	vadd.s32 $0xFFFFFF80, v0;
	v3 =	vshll.u32 v6, $0xD;
	v6 =	vld [tilespmem:s9+$0xFFFFFFC0];
	vm0 =	vgt.s32 v2, v1  }
0x4c: {  	v3 =	vadd.s32 v0, v3;
	v5 =	vshll.u32 v5, $0xD;
	v1 =	vsel vm0, v2, v1  }
0x4d: {  	vm0 =	vgt.s32 v1, v3;
	v2 =	vadd.s32 v5, v0;
	v5 =	vld [tilespmem:s9+$0xFFFFFFD0]  }
0x4e: {  	v1 =	vsel vm0, v1, v3;
	v2 =	vadd.s32 $0xFFFFFFF0, v2;
	v3 =	vshll.u32 v4, $0xD  }
0x4f: {  	vm0 =	vgt.s32 v1, v2;
	v3 =	vadd.s32 v3, v0;
	v7 =	vld [tilespmem:s9+$0xFFFFFFE0]  }
0x50: {  	v1 =	vsel vm0, v1, v2;
	v3 =	vadd.s32 $0xFFFFFFE0, v3;
	v2 =	vshll.u32 v6, $0xD  }
.Ltmp1:
0x51: {  	vm0 =	vgt.s32 v1, v3;
	v4 =	vadd.s32 v2, v0;
	v2 =	vld [tilespmem:s9+$0xFFFFFFF0];
	(pc) =	sbr.rel @p0 .LBB2_3-.Ltmp1, $4  }
0x52: {  	v3 =	vsel vm0, v1, v3;
	v4 =	vadd.s32 $0xFFFFFFD0, v4;
	v1 =	vshll.u32 v5, $0xD  }
0x53: {  	vm0 =	vgt.s32 v3, v4;
	v5 =	vadd.s32 v1, v0;
	v1 =	vld [tilespmem:s9+$0x0]  }
0x54: {  	v3 =	vsel vm0, v3, v4;
	v4 =	vadd.s32 $0xFFFFFFC0, v5;
	v5 =	vshll.u32 v7, $0xD  }
0x55: {  	s9 =	sadd.s32 $0x80, s9;
	vm0 =	vgt.s32 v3, v4;
	v5 =	vadd.s32 v5, v0  }
0x56: {  	v3 =	vsel vm0, v3, v4;
	v26 =	vadd.s32 $0xFFFFFFB0, v5;
	v2 =	vshll.u32 v2, $0xD  }
0x57: {  	vm0 =	vgt.s32 v3, v26;
	v2 =	vadd.s32 v2, v0  }
0x58: {  	v3 =	vsel vm0, v3, v26;
	v2 =	vadd.s32 $0xFFFFFFA0, v2;
	v1 =	vshll.u32 v1, $0xD  }
0x59: {  	vm0 =	vgt.s32 v3, v2;
	v27 =	vadd.s32 v1, v0  }
0x5a: {  	v28 =	vsel vm0, v3, v2;
	v0 =	vadd.s32 $0xFFFFFF90, v27  }
0x5b: {  	vm0 =	vgt.s32 v28, v0  }
0x5c: {  	s8 =	sshll.u32 s0, $0x4;
	v0 =	vsel vm0, v28, v0  }
0x5d: {  	s9 =	simm.s32 $0x800;
	s18 =	simm.s32 $0x4;
	s8 =	sadd.s32 s8, s7;
	[tilespmem:$0x800] =	vst v0  }
0x5e: {  	[spmem:s8] =	stream.linear.scatter [tilespmem:s9], [sflag:$0x4], $0x10, $0x38;
	[tilespmem:$0xD90] =	vst v63  }
0x5f: {  	_ =	swait.ge [sflag:s18], $0x10  }
0x60: {  	[sflag:s18] =	ssyncset.done $0x0  }
0x61: {  	s19 =	sshll.u32 s2, $0x6;
	[sflag:s18] =	ssyncadd.s32 $0xFFFFFFF0  }
0x62: {  	s21 =	simm.s32 $0x890;
	s20 =	sadd.s32 s19, s7;
	[bflag:$0x0] =	sbarrier.arrive $0xFFFF  }
0x63: {  	[tilespmem:s21], [sflag:$0x4] =	stream.linear.gather [spmem:s20], $0x40, $0x38;
	[tilespmem:$0xD90] =	vst v63  }
0x64: {  	_ =	swait.ge [sflag:s18], $0x40  }
0x65: {  	[sflag:s18] =	ssyncset.done $0x0  }
0x66: {  	[sflag:s18] =	ssyncadd.s32 $0xFFFFFFC0  }
0x67: {  	v29 =	vld [tilespmem:$0x890]  }
0x68: {  	v30 =	vld [tilespmem:$0x8A0];
	_ =	sdelay $0x1  }
0x69: {  	v31 =	vld [tilespmem:$0x8B0];
	_ =	sdelay $0x1  }
0x6a: {  	v32 =	vld [tilespmem:$0x8C0]  }
0x6b: {  	vm14 =	vgt.s32 v29, v30  }
0x6c: {  	v0 =	vsel vm14, v29, v30  }
0x6d: {  	vm0 =	vgt.s32 v0, v31  }
0x6e: {  	v0 =	vsel vm0, v0, v31  }
0x6f: {  	vm0 =	vgt.s32 v0, v32  }
0x70: {  	v0 =	vsel vm0, v0, v32  }
0x71: {  	(v2sf) =	vpush v0, $0x0  }
0x72: {  	(v2sf) =	vpush v0, $0x1;
	_ =	sdelay $0x1  }
0x73: {  	(v2sf) =	vpush v0, $0x2;
	_ =	sdelay $0x1  }
0x74: {  	(v2sf) =	vpush v0, $0x3;
	_ =	sdelay $0x1  }
0x75: {  	(v2sf) =	vpush v0, $0x4;
	_ =	sdelay $0x1  }
0x76: {  	(v2sf) =	vpush v0, $0x5;
	_ =	sdelay $0x1  }
0x77: {  	(v2sf) =	vpush v0, $0x6;
	_ =	sdelay $0x1  }
0x78: {  	(v2sf) =	vpush v0, $0x7;
	_ =	sdelay $0x1  }
0x79: {  	s7 =	spop (v2sf);
	(v2sf) =	vpush v0, $0x8  }
0x7a: {  	s8 =	spop (v2sf)  }
0x7b: {  	(v2sf) =	vpush v0, $0x9;
	p0 =	sgt.s32 s7, s8  }
0x7c: {  	s8 =	smov.u32 @p0 s7;
	s7 =	spop (v2sf)  }
0x7d: {  	(v2sf) =	vpush v0, $0xA;
	p0 =	sgt.s32 s8, s7  }
0x7e: {  	s7 =	smov.u32 @p0 s8;
	s8 =	spop (v2sf)  }
0x7f: {  	(v2sf) =	vpush v0, $0xB;
	p0 =	sgt.s32 s7, s8  }
0x80: {  	s8 =	smov.u32 @p0 s7;
	s7 =	spop (v2sf)  }
0x81: {  	(v2sf) =	vpush v0, $0xC;
	p0 =	sgt.s32 s8, s7  }
0x82: {  	s7 =	smov.u32 @p0 s8;
	s8 =	spop (v2sf)  }
0x83: {  	(v2sf) =	vpush v0, $0xD;
	p0 =	sgt.s32 s7, s8  }
0x84: {  	s8 =	smov.u32 @p0 s7;
	s7 =	spop (v2sf)  }
0x85: {  	(v2sf) =	vpush v0, $0xE;
	p0 =	sgt.s32 s8, s7  }
0x86: {  	s7 =	smov.u32 @p0 s8;
	s8 =	spop (v2sf)  }
0x87: {  	(v2sf) =	vpush v0, $0xF;
	p0 =	sgt.s32 s7, s8  }
0x88: {  	s9 =	spop (v2sf);
	s8 =	smov.u32 @p0 s7  }
0x89: {  	p0 =	sgt.s32 s8, s9  }
0x8a: {  	s7 =	spop (v2sf);
	s9 =	smov.u32 @p0 s8  }
0x8b: {  	p0 =	sgt.s32 s9, s7  }
0x8c: {  	s8 =	spop (v2sf);
	s7 =	smov.u32 @p0 s9  }
0x8d: {  	p0 =	sgt.s32 s7, s8  }
0x8e: {  	s9 =	spop (v2sf);
	s8 =	smov.u32 @p0 s7  }
0x8f: {  	p0 =	sgt.s32 s8, s9  }
0x90: {  	s7 =	spop (v2sf);
	s9 =	smov.u32 @p0 s8  }
0x91: {  	p0 =	sgt.s32 s9, s7  }
0x92: {  	s8 =	spop (v2sf);
	s7 =	smov.u32 @p0 s9  }
0x93: {  	p0 =	sgt.s32 s7, s8  }
0x94: {  	s9 =	spop (v2sf);
	s8 =	smov.u32 @p0 s7  }
0x95: {  	p0 =	sgt.s32 s8, s9  }
0x96: {  	s7 =	spop (v2sf);
	s9 =	smov.u32 @p0 s8  }
0x97: {  	p0 =	sgt.s32 s9, s7  }
0x98: {  	s7 =	smov.u32 @p0 s9  }
0x99: {  	s22 =	sshra.s32 s7, $0x1F  }
0x9a: {  	s8 =	sshrl.u32 s22, $0x13  }
0x9b: {  	s8 =	sadd.s32 s8, s7  }
0x9c: {  	s8 =	sand.u32 $0xFFFFE000, s8  }
0x9d: {  	s7 =	ssub.s32 s8, s7  }
0x9e: {  	s6 =	sadd.s32 s6, s7  }
0x9f: {  	s6 =	sadd.s32 $0x1FFF, s6  }
0xa0: {  	v33 =	vmov s6  }
0xa1: {  	[tilespmem:$0x910] =	vst v33  }
0xa2: {  	v0 =	vld.msk [tilespmem:$0x910], $0x1;
	_ =	sdelay $0x4  }
0xa3: {  	v34 =	vshll.u32 v0, $0x4  }
0xa4: {  	v0 =	vand.u32 $0x7, v0;
	v1 =	vand.u32 $0xFFFFFF80, v34  }
0xa5: {  	v35 =	vimm.s32 $0x0;
	v36 =	vlaneseq.u32;
	v0 =	vor.u32 v0, v1  }
0xa6: {  	v37 =	vmul.u32 $0x8, v36;
	v0 =	vperm.xlane v0, v35;
	_ =	sdelay $0x1  }
0xa7: {  	v0 =	vadd.s32 v37, v0;
	_ =	sdelay $0x2  }
0xa8: {  	s23 =	sshll.u32 s5, $0x9;
	s24 =	simm.s32 $0x0  }
0xa9: {  	vm15 =	vmmov $0xf;
	s25 =	simm.s32 $0x990;
	s26 =	simm.s32 $0x1;
	s4 =	sadd.s32 s4, s23  }
0xaa: {  	[tilespmem:s25], [sflag:$0x1] =	stream.indirect_vreg.gather [hbm4b:s4+s24], $0x80, v0, vm15, $0xb8;
	[tilespmem:$0xD90] =	vst v63  }
0xab: {  	_ =	swait.ge [sflag:s26], $0x200  }
0xac: {  	[sflag:s26] =	ssyncset.done $0x0  }
0xad: {  	[sflag:s26] =	ssyncadd.s32 $0xFFFFFE00  }
0xae: {  	v38 =	vld [tilespmem:$0x990]  }
0xaf: {  	v39 =	vld [tilespmem:$0x9A0]  }
0xb0: {  	v40 =	vld [tilespmem:$0x9B0]  }
0xb1: {  	v41 =	vld [tilespmem:$0x9C0]  }
0xb2: {  	v42 =	vld [tilespmem:$0x9D0]  }
0xb3: {  	v43 =	vld [tilespmem:$0x9E0];
	v0 =	vmul.f32 v38, v38  }
0xb4: {  	v6 =	vld [tilespmem:$0x9F0];
	v1 =	vmul.f32 v39, v39  }
0xb5: {  	v7 =	vld [tilespmem:$0xA00];
	v2 =	vmul.f32 v40, v40;
	v0 =	vmul.f32 v0, v0  }
0xb6: {  	v8 =	vld [tilespmem:$0xA10];
	v3 =	vmul.f32 v41, v41;
	v1 =	vmul.f32 v1, v1  }
0xb7: {  	v46 =	vld [tilespmem:$0xA20];
	v45 =	vmul.f32 v42, v42;
	v44 =	vmul.f32 v2, v2;
	[tilespmem:$0xB90] =	vst v0  }
0xb8: {  	v49 =	vld [tilespmem:$0xA30];
	v48 =	vmul.f32 v43, v43;
	v47 =	vmul.f32 v3, v3;
	[tilespmem:$0xBA0] =	vst v1  }
0xb9: {  	v52 =	vld [tilespmem:$0xA40];
	v51 =	vmul.f32 v6, v6;
	v50 =	vmul.f32 v45, v45;
	[tilespmem:$0xBB0] =	vst v44  }
0xba: {  	v55 =	vld [tilespmem:$0xA50];
	v54 =	vmul.f32 v7, v7;
	v53 =	vmul.f32 v48, v48;
	[tilespmem:$0xBC0] =	vst v47  }
0xbb: {  	v58 =	vld [tilespmem:$0xA60];
	v57 =	vmul.f32 v8, v8;
	v56 =	vmul.f32 v51, v51;
	[tilespmem:$0xBD0] =	vst v50  }
0xbc: {  	v61 =	vld [tilespmem:$0xA70];
	v60 =	vmul.f32 v46, v46;
	v59 =	vmul.f32 v54, v54;
	[tilespmem:$0xBE0] =	vst v53  }
0xbd: {  	v9 =	vld [tilespmem:$0xA80];
	v63 =	vmul.f32 v49, v49;
	v62 =	vmul.f32 v57, v57;
	[tilespmem:$0xBF0] =	vst v56  }
0xbe: {  	v11 =	vmul.f32 v52, v52;
	v10 =	vmul.f32 v60, v60;
	[tilespmem:$0xC00] =	vst v59  }
0xbf: {  	v13 =	vmul.f32 v55, v55;
	v12 =	vmul.f32 v63, v63;
	[tilespmem:$0xC10] =	vst v62  }
0xc0: {  	v15 =	vmul.f32 v58, v58;
	v14 =	vmul.f32 v11, v11;
	[tilespmem:$0xC20] =	vst v10  }
0xc1: {  	v17 =	vmul.f32 v61, v61;
	v16 =	vmul.f32 v13, v13;
	[tilespmem:$0xC30] =	vst v12  }
0xc2: {  	v19 =	vmul.f32 v9, v9;
	v18 =	vmul.f32 v15, v15;
	[tilespmem:$0xC40] =	vst v14  }
0xc3: {  	s28 =	sshll.u32 s2, $0xB;
	v20 =	vmul.f32 v17, v17;
	[tilespmem:$0xC50] =	vst v16  }
0xc4: {  	s2 =	sor.u32 s23, s28;
	v21 =	vmul.f32 v19, v19;
	[tilespmem:$0xC60] =	vst v18  }
0xc5: {  	s2 =	sshrl.u32 s2, $0x3;
	[tilespmem:$0xC70] =	vst v20  }
0xc6: {  	s29 =	simm.s32 $0xB90;
	s2 =	sadd.s32 s3, s2;
	[tilespmem:$0xC80] =	vst v21  }
0xc7: {  	[hbm4b:s2+s24] =	stream.linear.scatter [tilespmem:s29], [sflag:$0x3], $0x100, $0x38;
	[tilespmem:$0xD90] =	vst v63  }
0xc8: {  	v22 =	vld [tilespmem:$0xA90]  }
0xc9: {  	v23 =	vld [tilespmem:$0xAA0]  }
0xca: {  	v24 =	vld [tilespmem:$0xAB0]  }
0xcb: {  	v25 =	vld [tilespmem:$0xAC0]  }
0xcc: {  	v26 =	vld [tilespmem:$0xAD0]  }
0xcd: {  	v27 =	vld [tilespmem:$0xAE0];
	v0 =	vmul.f32 v22, v22  }
0xce: {  	v28 =	vld [tilespmem:$0xAF0];
	v1 =	vmul.f32 v23, v23  }
0xcf: {  	v29 =	vld [tilespmem:$0xB00];
	v2 =	vmul.f32 v24, v24;
	v0 =	vmul.f32 v0, v0  }
0xd0: {  	v30 =	vld [tilespmem:$0xB10];
	v3 =	vmul.f32 v25, v25;
	v1 =	vmul.f32 v1, v1  }
0xd1: {  	v33 =	vld [tilespmem:$0xB20];
	v32 =	vmul.f32 v26, v26;
	v31 =	vmul.f32 v2, v2;
	[tilespmem:$0xC90] =	vst v0  }
0xd2: {  	v36 =	vld [tilespmem:$0xB30];
	v35 =	vmul.f32 v27, v27;
	v34 =	vmul.f32 v3, v3;
	[tilespmem:$0xCA0] =	vst v1  }
0xd3: {  	v39 =	vld [tilespmem:$0xB40];
	v38 =	vmul.f32 v28, v28;
	v37 =	vmul.f32 v32, v32;
	[tilespmem:$0xCB0] =	vst v31  }
0xd4: {  	v42 =	vld [tilespmem:$0xB50];
	v41 =	vmul.f32 v29, v29;
	v40 =	vmul.f32 v35, v35;
	[tilespmem:$0xCC0] =	vst v34  }
0xd5: {  	v45 =	vld [tilespmem:$0xB60];
	v44 =	vmul.f32 v30, v30;
	v43 =	vmul.f32 v38, v38;
	[tilespmem:$0xCD0] =	vst v37  }
0xd6: {  	v48 =	vld [tilespmem:$0xB70];
	v47 =	vmul.f32 v33, v33;
	v46 =	vmul.f32 v41, v41;
	[tilespmem:$0xCE0] =	vst v40  }
0xd7: {  	v51 =	vld [tilespmem:$0xB80];
	v50 =	vmul.f32 v36, v36;
	v49 =	vmul.f32 v44, v44;
	[tilespmem:$0xCF0] =	vst v43  }
0xd8: {  	v53 =	vmul.f32 v39, v39;
	v52 =	vmul.f32 v47, v47;
	[tilespmem:$0xD00] =	vst v46  }
0xd9: {  	v55 =	vmul.f32 v42, v42;
	v54 =	vmul.f32 v50, v50;
	[tilespmem:$0xD10] =	vst v49  }
0xda: {  	v57 =	vmul.f32 v45, v45;
	v56 =	vmul.f32 v53, v53;
	[tilespmem:$0xD20] =	vst v52  }
0xdb: {  	v59 =	vmul.f32 v48, v48;
	v58 =	vmul.f32 v55, v55;
	[tilespmem:$0xD30] =	vst v54  }
0xdc: {  	v61 =	vmul.f32 v51, v51;
	v60 =	vmul.f32 v57, v57;
	[tilespmem:$0xD40] =	vst v56  }
0xdd: {  	v62 =	vmul.f32 v59, v59;
	[tilespmem:$0xD50] =	vst v58  }
0xde: {  	v63 =	vmul.f32 v61, v61;
	[tilespmem:$0xD60] =	vst v60  }
0xdf: {  	[tilespmem:$0xD70] =	vst v62  }
0xe0: {  	s30 =	simm.s32 $0xC90;
	s31 =	simm.s32 $0x3;
	s2 =	sadd.s32 $0x20, s2;
	[tilespmem:$0xD80] =	vst v63  }
0xe1: {  	[hbm4b:s2+s24] =	stream.linear.scatter [tilespmem:s30], [sflag:$0x1], $0x100, $0x38;
	[tilespmem:$0xD90] =	vst v63  }
0xe2: {  	_ =	swait.ge [sflag:s31], $0x100  }
0xe3: {  	[sflag:s31] =	ssyncset.done $0x0  }
0xe4: {  	[sflag:s31] =	ssyncadd.s32 $0xFFFFFF00  }
0xe5: {  	_ =	swait.ge [sflag:s26], $0x100  }
0xe6: {  	[sflag:s26] =	ssyncset.done $0x0  }
0xe7: {  	[sflag:s26] =	ssyncadd.s32 $0xFFFFFF00  }
0xe8: {  	_ =	sfence.sel $0x180000  }
0xe9: {  	[bflag:$0x0] =	sbarrier.arrive $0xFFFF  }
0xea: {  	p0 =	sne.s32 s0, $0x0;
	_ =	strace $0x90000047  }
0xeb: {  	s0 =	sadd.s32 @!p0 $0x100000, s1;
	[bflag:$0x2] =	sbarrier.arrive $0xFFFF  }
0xec: {  	[sflag:s0] =	ssyncadd.tile.s32 @!p0 $0x1;
	_ =	shalt  }
.Lfunc_end2:
_tile_overlayer_lowered:
.L_overlay_start_2:
0xed: {  	(tag) =	ssettag $0x2  }
0xee: {  	s0 =	rddreg [dreg:$0x0];
	s2 =	stileid.u32  }
0xef: {  	s1 =	rddreg [dreg:$0x1];
	p0 =	sne.s32 s2, $0x0  }
0xf0: {  	s3 =	rddreg [dreg:$0x2];
	[bflag:$0x3] =	sbarrier.arrive $0xFFFF;
	s2 =	simm.s32 @!p0 $0x1C04  }
0xf1: {  	[timem:s3], [sflag:s2] =	dma.local @!p0 [hbm:s0], s1  }
0xf2: {  	s0 =	simm.s32 @!p0 $0x4  }
0xf3: {  	_ =	swait.ge @!p0 [sflag:s0], s1  }
0xf4: {  	s1 =	ssub.s32 @!p0 $0x0, s1;
	[sflag:s0] =	ssyncset.done @!p0 $0x0  }
0xf5: {  	[sflag:s0] =	ssyncadd.s32 @!p0 s1  }
0xf6: {  	[bflag:$0x3] =	sbarrier.arrive $0xFFFF  }
0xf7: {  	_ =	shalt  }

</sc_bundles>
